<compile_context>
chip_gen: v7x
topology: tpu7x:2x2x1
jax: 0.10.2.dev20260603
libtpu: 0.0.44.dev20260713+nightly
codegen_flags: <defaults>
</compile_context>

<pallas_src>
import functools
import jax
import jax.numpy as jnp
from jax import lax
from jax.experimental import pallas as pl
from jax.experimental.pallas import tpu as pltpu
from jax.experimental.pallas import tpu_sc as plsc


def _sc_copy_fn(seq_len, embed_dim, dtype):
    info = plsc.get_sparse_core_info()
    nc, ns = info.num_cores, info.num_subcores
    nw = nc * ns
    rows_per_w = seq_len // nw
    chunk = 16
    nbuf = 3
    n_chunks = rows_per_w // chunk
    mesh = plsc.VectorSubcoreMesh(core_axis_name="c", subcore_axis_name="s")

    @functools.partial(
        pl.kernel,
        mesh=mesh,
        out_type=jax.ShapeDtypeStruct((seq_len, embed_dim), dtype),
        scratch_types=(
            [pltpu.VMEM_SHARED((ns, nbuf, chunk, embed_dim), dtype)]
            + [pltpu.SemaphoreType.DMA] * 6
        ),
    )
    def sc_copy(table_hbm, out_hbm, shared, *sems):
        rd_sems, wr_sems = sems[:3], sems[3:]
        sid = lax.axis_index("s")
        wid = sid * nc + lax.axis_index("c")
        base = wid * rows_per_w

        def read(g):
            s = g % nbuf
            return pltpu.async_copy(
                table_hbm.at[pl.ds(base + g * chunk, chunk)],
                shared.at[sid, s], rd_sems[s])

        def write(g):
            s = g % nbuf
            return pltpu.async_copy(
                shared.at[sid, s],
                out_hbm.at[pl.ds(base + g * chunk, chunk)], wr_sems[s])

        reads, writes = {}, {}
        pending_writes = set()
        ahead = nbuf - 2
        for g in range(min(ahead, n_chunks)):
            reads[g] = read(g)
        for g in range(n_chunks):
            nx = g + ahead
            if nx < n_chunks:
                prev = nx - nbuf
                if prev >= 0:
                    writes[prev].wait()
                    pending_writes.discard(prev)
                reads[nx] = read(nx)
            reads[g].wait()
            writes[g] = write(g)
            pending_writes.add(g)
        for g in sorted(pending_writes):
            writes[g].wait()

    return sc_copy


def kernel(token_ids, pos_table):
    seq_len = token_ids.shape[-1]
    embed_dim = pos_table.shape[1]
    fn = _sc_copy_fn(seq_len, embed_dim, pos_table.dtype)
    return fn(pos_table)

# --- scband reference (transcript-rebuilt; emitter-appended) ---
"""Pipeline reference for scband-position-embedding-30640296689974 (READ-ONLY COPY).

The authoritative reference and input builder live on the scoring server;
editing this copy changes nothing except your own understanding.
"""

import jax, jax.numpy as jnp
import numpy as np

MAX_SEQ_LEN = 8192
EMBED_DIM = 2048
BATCH = 4
SEQ_LEN = 8192
VOCAB = 50257


def setup_inputs(seed: int = 0) -> dict:
    key = jax.random.key(seed)
    k_ids, k_tab = jax.random.split(key)
    token_ids = jax.random.randint(k_ids, (BATCH, SEQ_LEN), 0, VOCAB, dtype=jnp.int64 if jax.config.jax_enable_x64 else jnp.int32)
    pos_table = jax.random.normal(k_tab, (MAX_SEQ_LEN, EMBED_DIM), dtype=jnp.float32)
    return {"token_ids": token_ids, "pos_table": pos_table}


def reference(token_ids, pos_table):
    # Determine seq_len from token_ids (1D or 2D), build positions, lookup.
    if token_ids.ndim == 1:
        seq_len = token_ids.shape[0]
    else:
        seq_len = token_ids.shape[1]
    positions = jnp.arange(seq_len, dtype=jnp.int32)
    # Embedding lookup (gather) -> (seq_len, embed_dim), no batch dim
    return jnp.take(pos_table, positions, axis=0)

if __name__ == "__main__":
    import jax
    _d = setup_inputs()
    print(jax.jit(kernel)(*tuple(_d.values())))

</pallas_src>

<mosaic_0001>
#map = affine_map<(d0, d1) -> (0, 0)>
module attributes {stable_mosaic.version = 14 : i64} {
  func.func @sc_copy(%arg0: i32, %arg1: i32, %arg2: memref<8192x2048xf32, #tpu.memory_space<hbm>>, %arg3: memref<8192x2048xf32, #tpu.memory_space<hbm>>, %arg4: memref<16x3x16x2048xf32, #tpu.memory_space<vmem_shared>>, %arg5: memref<!tpu.dma_semaphore, #tpu.memory_space<semaphore_mem>>, %arg6: memref<!tpu.dma_semaphore, #tpu.memory_space<semaphore_mem>>, %arg7: memref<!tpu.dma_semaphore, #tpu.memory_space<semaphore_mem>>, %arg8: memref<!tpu.dma_semaphore, #tpu.memory_space<semaphore_mem>>, %arg9: memref<!tpu.dma_semaphore, #tpu.memory_space<semaphore_mem>>, %arg10: memref<!tpu.dma_semaphore, #tpu.memory_space<semaphore_mem>>) attributes {dimension_semantics = [#tpu.dimension_semantics<core_parallel>, #tpu.dimension_semantics<subcore_parallel>], iteration_bounds = array<i64: 2, 16>, scalar_prefetch = 0 : i64, scratch_operands = 7 : i64, tpu.core_type = #tpu.core_type<sc_vector_subcore>, window_params = [{transform_indices = #map}, {transform_indices = #map}]} {
    %mul3A = arith.constant 2 : i32
    %mul3A_0 = arith.muli %arg1, %mul3A : i32
    %add3A = arith.addi %mul3A_0, %arg0 : i32
    %mul3A_1 = arith.constant 256 : i32
    %mul3A_2 = arith.muli %add3A, %mul3A_1 : i32
    %add3A_3 = arith.constant 0 : i32
    %add3A_4 = arith.addi %mul3A_2, %add3A_3 : i32
    %dma_start3A = arith.constant 0 : i32
    %dma_start3A_5 = arith.constant 0 : i32
    %dma_start3A_6 = arith.constant 0 : i32
    %dma_start3A_7 = tpu.memref_slice %arg4[%arg1, %dma_start3A, %dma_start3A_5, %dma_start3A_6] : memref<16x3x16x2048xf32, #tpu.memory_space<vmem_shared>> -> memref<1x1x16x2048xf32, #tpu.memory_space<vmem_shared>>
    %dma_start3A_8 = tpu.memref_squeeze %dma_start3A_7 : memref<1x1x16x2048xf32, #tpu.memory_space<vmem_shared>> -> memref<16x2048xf32, #tpu.memory_space<vmem_shared>>
    %dma_start3A_9 = arith.constant 0 : i32
    %dma_start3A_10 = tpu.memref_slice %arg2[%add3A_4, %dma_start3A_9] : memref<8192x2048xf32, #tpu.memory_space<hbm>> -> memref<16x2048xf32, #tpu.memory_space<hbm>>
    tpu.enqueue_dma source(%dma_start3A_10 : memref<16x2048xf32, #tpu.memory_space<hbm>>) target(%dma_start3A_8 : memref<16x2048xf32, #tpu.memory_space<vmem_shared>>) target_semaphore(%arg5 : memref<!tpu.dma_semaphore, #tpu.memory_space<semaphore_mem>>)
    %add3A_11 = arith.constant 16 : i32
    %add3A_12 = arith.addi %mul3A_2, %add3A_11 : i32
    %dma_start3A_13 = arith.constant 1 : i32
    %dma_start3A_14 = arith.constant 0 : i32
    %dma_start3A_15 = arith.constant 0 : i32
    %dma_start3A_16 = tpu.memref_slice %arg4[%arg1, %dma_start3A_13, %dma_start3A_14, %dma_start3A_15] : memref<16x3x16x2048xf32, #tpu.memory_space<vmem_shared>> -> memref<1x1x16x2048xf32, #tpu.memory_space<vmem_shared>>
    %dma_start3A_17 = tpu.memref_squeeze %dma_start3A_16 : memref<1x1x16x2048xf32, #tpu.memory_space<vmem_shared>> -> memref<16x2048xf32, #tpu.memory_space<vmem_shared>>
    %dma_start3A_18 = arith.constant 0 : i32
    %dma_start3A_19 = tpu.memref_slice %arg2[%add3A_12, %dma_start3A_18] : memref<8192x2048xf32, #tpu.memory_space<hbm>> -> memref<16x2048xf32, #tpu.memory_space<hbm>>
    tpu.enqueue_dma source(%dma_start3A_19 : memref<16x2048xf32, #tpu.memory_space<hbm>>) target(%dma_start3A_17 : memref<16x2048xf32, #tpu.memory_space<vmem_shared>>) target_semaphore(%arg6 : memref<!tpu.dma_semaphore, #tpu.memory_space<semaphore_mem>>)
    %dma_wait3A = arith.constant 0 : i32
    %dma_wait3A_20 = arith.constant 0 : i32
    %dma_wait3A_21 = arith.constant 0 : i32
    %dma_wait3A_22 = tpu.memref_slice %arg4[%arg1, %dma_wait3A, %dma_wait3A_20, %dma_wait3A_21] : memref<16x3x16x2048xf32, #tpu.memory_space<vmem_shared>> -> memref<1x1x16x2048xf32, #tpu.memory_space<vmem_shared>>
    %dma_wait3A_23 = tpu.memref_squeeze %dma_wait3A_22 : memref<1x1x16x2048xf32, #tpu.memory_space<vmem_shared>> -> memref<16x2048xf32, #tpu.memory_space<vmem_shared>>
    %dma_wait3A_24 = arith.constant 0 : i32
    %dma_wait3A_25 = tpu.memref_slice %arg2[%add3A_4, %dma_wait3A_24] : memref<8192x2048xf32, #tpu.memory_space<hbm>> -> memref<16x2048xf32, #tpu.memory_space<hbm>>
    tpu.wait_dma2 semaphore(%arg5 : memref<!tpu.dma_semaphore, #tpu.memory_space<semaphore_mem>>) src(%dma_wait3A_25 : memref<16x2048xf32, #tpu.memory_space<hbm>>) dst(%dma_wait3A_23 : memref<16x2048xf32, #tpu.memory_space<vmem_shared>>)
    %add3A_26 = arith.constant 0 : i32
    %add3A_27 = arith.addi %mul3A_2, %add3A_26 : i32
    %dma_start3A_28 = arith.constant 0 : i32
    %dma_start3A_29 = arith.constant 0 : i32
    %dma_start3A_30 = tpu.memref_slice %arg3[%add3A_27, %dma_start3A_29] : memref<8192x2048xf32, #tpu.memory_space<hbm>> -> memref<16x2048xf32, #tpu.memory_space<hbm>>
    %dma_start3A_31 = arith.constant 0 : i32
    %dma_start3A_32 = arith.constant 0 : i32
    %dma_start3A_33 = tpu.memref_slice %arg4[%arg1, %dma_start3A_28, %dma_start3A_31, %dma_start3A_32] : memref<16x3x16x2048xf32, #tpu.memory_space<vmem_shared>> -> memref<1x1x16x2048xf32, #tpu.memory_space<vmem_shared>>
    %dma_start3A_34 = tpu.memref_squeeze %dma_start3A_33 : memref<1x1x16x2048xf32, #tpu.memory_space<vmem_shared>> -> memref<16x2048xf32, #tpu.memory_space<vmem_shared>>
    tpu.enqueue_dma source(%dma_start3A_34 : memref<16x2048xf32, #tpu.memory_space<vmem_shared>>) target(%dma_start3A_30 : memref<16x2048xf32, #tpu.memory_space<hbm>>) target_semaphore(%arg8 : memref<!tpu.dma_semaphore, #tpu.memory_space<semaphore_mem>>)
    %add3A_35 = arith.constant 32 : i32
    %add3A_36 = arith.addi %mul3A_2, %add3A_35 : i32
    %dma_start3A_37 = arith.constant 2 : i32
    %dma_start3A_38 = arith.constant 0 : i32
    %dma_start3A_39 = arith.constant 0 : i32
    %dma_start3A_40 = tpu.memref_slice %arg4[%arg1, %dma_start3A_37, %dma_start3A_38, %dma_start3A_39] : memref<16x3x16x2048xf32, #tpu.memory_space<vmem_shared>> -> memref<1x1x16x2048xf32, #tpu.memory_space<vmem_shared>>
    %dma_start3A_41 = tpu.memref_squeeze %dma_start3A_40 : memref<1x1x16x2048xf32, #tpu.memory_space<vmem_shared>> -> memref<16x2048xf32, #tpu.memory_space<vmem_shared>>
    %dma_start3A_42 = arith.constant 0 : i32
    %dma_start3A_43 = tpu.memref_slice %arg2[%add3A_36, %dma_start3A_42] : memref<8192x2048xf32, #tpu.memory_space<hbm>> -> memref<16x2048xf32, #tpu.memory_space<hbm>>
    tpu.enqueue_dma source(%dma_start3A_43 : memref<16x2048xf32, #tpu.memory_space<hbm>>) target(%dma_start3A_41 : memref<16x2048xf32, #tpu.memory_space<vmem_shared>>) target_semaphore(%arg7 : memref<!tpu.dma_semaphore, #tpu.memory_space<semaphore_mem>>)
    %dma_wait3A_44 = arith.constant 1 : i32
    %dma_wait3A_45 = arith.constant 0 : i32
    %dma_wait3A_46 = arith.constant 0 : i32
    %dma_wait3A_47 = tpu.memref_slice %arg4[%arg1, %dma_wait3A_44, %dma_wait3A_45, %dma_wait3A_46] : memref<16x3x16x2048xf32, #tpu.memory_space<vmem_shared>> -> memref<1x1x16x2048xf32, #tpu.memory_space<vmem_shared>>
    %dma_wait3A_48 = tpu.memref_squeeze %dma_wait3A_47 : memref<1x1x16x2048xf32, #tpu.memory_space<vmem_shared>> -> memref<16x2048xf32, #tpu.memory_space<vmem_shared>>
    %dma_wait3A_49 = arith.constant 0 : i32
    %dma_wait3A_50 = tpu.memref_slice %arg2[%add3A_12, %dma_wait3A_49] : memref<8192x2048xf32, #tpu.memory_space<hbm>> -> memref<16x2048xf32, #tpu.memory_space<hbm>>
    tpu.wait_dma2 semaphore(%arg6 : memref<!tpu.dma_semaphore, #tpu.memory_space<semaphore_mem>>) src(%dma_wait3A_50 : memref<16x2048xf32, #tpu.memory_space<hbm>>) dst(%dma_wait3A_48 : memref<16x2048xf32, #tpu.memory_space<vmem_shared>>)
    %add3A_51 = arith.constant 16 : i32
    %add3A_52 = arith.addi %mul3A_2, %add3A_51 : i32
    %dma_start3A_53 = arith.constant 1 : i32
    %dma_start3A_54 = arith.constant 0 : i32
    %dma_start3A_55 = tpu.memref_slice %arg3[%add3A_52, %dma_start3A_54] : memref<8192x2048xf32, #tpu.memory_space<hbm>> -> memref<16x2048xf32, #tpu.memory_space<hbm>>
    %dma_start3A_56 = arith.constant 0 : i32
    %dma_start3A_57 = arith.constant 0 : i32
    %dma_start3A_58 = tpu.memref_slice %arg4[%arg1, %dma_start3A_53, %dma_start3A_56, %dma_start3A_57] : memref<16x3x16x2048xf32, #tpu.memory_space<vmem_shared>> -> memref<1x1x16x2048xf32, #tpu.memory_space<vmem_shared>>
    %dma_start3A_59 = tpu.memref_squeeze %dma_start3A_58 : memref<1x1x16x2048xf32, #tpu.memory_space<vmem_shared>> -> memref<16x2048xf32, #tpu.memory_space<vmem_shared>>
    tpu.enqueue_dma source(%dma_start3A_59 : memref<16x2048xf32, #tpu.memory_space<vmem_shared>>) target(%dma_start3A_55 : memref<16x2048xf32, #tpu.memory_space<hbm>>) target_semaphore(%arg9 : memref<!tpu.dma_semaphore, #tpu.memory_space<semaphore_mem>>)
    %dma_wait3A_60 = arith.constant 0 : i32
    %dma_wait3A_61 = arith.constant 0 : i32
    %dma_wait3A_62 = tpu.memref_slice %arg3[%add3A_27, %dma_wait3A_61] : memref<8192x2048xf32, #tpu.memory_space<hbm>> -> memref<16x2048xf32, #tpu.memory_space<hbm>>
    %dma_wait3A_63 = arith.constant 0 : i32
    %dma_wait3A_64 = arith.constant 0 : i32
    %dma_wait3A_65 = tpu.memref_slice %arg4[%arg1, %dma_wait3A_60, %dma_wait3A_63, %dma_wait3A_64] : memref<16x3x16x2048xf32, #tpu.memory_space<vmem_shared>> -> memref<1x1x16x2048xf32, #tpu.memory_space<vmem_shared>>
    %dma_wait3A_66 = tpu.memref_squeeze %dma_wait3A_65 : memref<1x1x16x2048xf32, #tpu.memory_space<vmem_shared>> -> memref<16x2048xf32, #tpu.memory_space<vmem_shared>>
    tpu.wait_dma2 semaphore(%arg8 : memref<!tpu.dma_semaphore, #tpu.memory_space<semaphore_mem>>) src(%dma_wait3A_66 : memref<16x2048xf32, #tpu.memory_space<vmem_shared>>) dst(%dma_wait3A_62 : memref<16x2048xf32, #tpu.memory_space<hbm>>)
    %add3A_67 = arith.constant 48 : i32
    %add3A_68 = arith.addi %mul3A_2, %add3A_67 : i32
    %dma_start3A_69 = arith.constant 0 : i32
    %dma_start3A_70 = arith.constant 0 : i32
    %dma_start3A_71 = arith.constant 0 : i32
    %dma_start3A_72 = tpu.memref_slice %arg4[%arg1, %dma_start3A_69, %dma_start3A_70, %dma_start3A_71] : memref<16x3x16x2048xf32, #tpu.memory_space<vmem_shared>> -> memref<1x1x16x2048xf32, #tpu.memory_space<vmem_shared>>
    %dma_start3A_73 = tpu.memref_squeeze %dma_start3A_72 : memref<1x1x16x2048xf32, #tpu.memory_space<vmem_shared>> -> memref<16x2048xf32, #tpu.memory_space<vmem_shared>>
    %dma_start3A_74 = arith.constant 0 : i32
    %dma_start3A_75 = tpu.memref_slice %arg2[%add3A_68, %dma_start3A_74] : memref<8192x2048xf32, #tpu.memory_space<hbm>> -> memref<16x2048xf32, #tpu.memory_space<hbm>>
    tpu.enqueue_dma source(%dma_start3A_75 : memref<16x2048xf32, #tpu.memory_space<hbm>>) target(%dma_start3A_73 : memref<16x2048xf32, #tpu.memory_space<vmem_shared>>) target_semaphore(%arg5 : memref<!tpu.dma_semaphore, #tpu.memory_space<semaphore_mem>>)
    %dma_wait3A_76 = arith.constant 2 : i32
    %dma_wait3A_77 = arith.constant 0 : i32
    %dma_wait3A_78 = arith.constant 0 : i32
    %dma_wait3A_79 = tpu.memref_slice %arg4[%arg1, %dma_wait3A_76, %dma_wait3A_77, %dma_wait3A_78] : memref<16x3x16x2048xf32, #tpu.memory_space<vmem_shared>> -> memref<1x1x16x2048xf32, #tpu.memory_space<vmem_shared>>
    %dma_wait3A_80 = tpu.memref_squeeze %dma_wait3A_79 : memref<1x1x16x2048xf32, #tpu.memory_space<vmem_shared>> -> memref<16x2048xf32, #tpu.memory_space<vmem_shared>>
    %dma_wait3A_81 = arith.constant 0 : i32
    %dma_wait3A_82 = tpu.memref_slice %arg2[%add3A_36, %dma_wait3A_81] : memref<8192x2048xf32, #tpu.memory_space<hbm>> -> memref<16x2048xf32, #tpu.memory_space<hbm>>
    tpu.wait_dma2 semaphore(%arg7 : memref<!tpu.dma_semaphore, #tpu.memory_space<semaphore_mem>>) src(%dma_wait3A_82 : memref<16x2048xf32, #tpu.memory_space<hbm>>) dst(%dma_wait3A_80 : memref<16x2048xf32, #tpu.memory_space<vmem_shared>>)
    %add3A_83 = arith.constant 32 : i32
    %add3A_84 = arith.addi %mul3A_2, %add3A_83 : i32
    %dma_start3A_85 = arith.constant 2 : i32
    %dma_start3A_86 = arith.constant 0 : i32
    %dma_start3A_87 = tpu.memref_slice %arg3[%add3A_84, %dma_start3A_86] : memref<8192x2048xf32, #tpu.memory_space<hbm>> -> memref<16x2048xf32, #tpu.memory_space<hbm>>
    %dma_start3A_88 = arith.constant 0 : i32
    %dma_start3A_89 = arith.constant 0 : i32
    %dma_start3A_90 = tpu.memref_slice %arg4[%arg1, %dma_start3A_85, %dma_start3A_88, %dma_start3A_89] : memref<16x3x16x2048xf32, #tpu.memory_space<vmem_shared>> -> memref<1x1x16x2048xf32, #tpu.memory_space<vmem_shared>>
    %dma_start3A_91 = tpu.memref_squeeze %dma_start3A_90 : memref<1x1x16x2048xf32, #tpu.memory_space<vmem_shared>> -> memref<16x2048xf32, #tpu.memory_space<vmem_shared>>
    tpu.enqueue_dma source(%dma_start3A_91 : memref<16x2048xf32, #tpu.memory_space<vmem_shared>>) target(%dma_start3A_87 : memref<16x2048xf32, #tpu.memory_space<hbm>>) target_semaphore(%arg10 : memref<!tpu.dma_semaphore, #tpu.memory_space<semaphore_mem>>)
    %dma_wait3A_92 = arith.constant 1 : i32
    %dma_wait3A_93 = arith.constant 0 : i32
    %dma_wait3A_94 = tpu.memref_slice %arg3[%add3A_52, %dma_wait3A_93] : memref<8192x2048xf32, #tpu.memory_space<hbm>> -> memref<16x2048xf32, #tpu.memory_space<hbm>>
    %dma_wait3A_95 = arith.constant 0 : i32
    %dma_wait3A_96 = arith.constant 0 : i32
    %dma_wait3A_97 = tpu.memref_slice %arg4[%arg1, %dma_wait3A_92, %dma_wait3A_95, %dma_wait3A_96] : memref<16x3x16x2048xf32, #tpu.memory_space<vmem_shared>> -> memref<1x1x16x2048xf32, #tpu.memory_space<vmem_shared>>
    %dma_wait3A_98 = tpu.memref_squeeze %dma_wait3A_97 : memref<1x1x16x2048xf32, #tpu.memory_space<vmem_shared>> -> memref<16x2048xf32, #tpu.memory_space<vmem_shared>>
    tpu.wait_dma2 semaphore(%arg9 : memref<!tpu.dma_semaphore, #tpu.memory_space<semaphore_mem>>) src(%dma_wait3A_98 : memref<16x2048xf32, #tpu.memory_space<vmem_shared>>) dst(%dma_wait3A_94 : memref<16x2048xf32, #tpu.memory_space<hbm>>)
    %add3A_99 = arith.constant 64 : i32
    %add3A_100 = arith.addi %mul3A_2, %add3A_99 : i32
    %dma_start3A_101 = arith.constant 1 : i32
    %dma_start3A_102 = arith.constant 0 : i32
    %dma_start3A_103 = arith.constant 0 : i32
    %dma_start3A_104 = tpu.memref_slice %arg4[%arg1, %dma_start3A_101, %dma_start3A_102, %dma_start3A_103] : memref<16x3x16x2048xf32, #tpu.memory_space<vmem_shared>> -> memref<1x1x16x2048xf32, #tpu.memory_space<vmem_shared>>
    %dma_start3A_105 = tpu.memref_squeeze %dma_start3A_104 : memref<1x1x16x2048xf32, #tpu.memory_space<vmem_shared>> -> memref<16x2048xf32, #tpu.memory_space<vmem_shared>>
    %dma_start3A_106 = arith.constant 0 : i32
    %dma_start3A_107 = tpu.memref_slice %arg2[%add3A_100, %dma_start3A_106] : memref<8192x2048xf32, #tpu.memory_space<hbm>> -> memref<16x2048xf32, #tpu.memory_space<hbm>>
    tpu.enqueue_dma source(%dma_start3A_107 : memref<16x2048xf32, #tpu.memory_space<hbm>>) target(%dma_start3A_105 : memref<16x2048xf32, #tpu.memory_space<vmem_shared>>) target_semaphore(%arg6 : memref<!tpu.dma_semaphore, #tpu.memory_space<semaphore_mem>>)
    %dma_wait3A_108 = arith.constant 0 : i32
    %dma_wait3A_109 = arith.constant 0 : i32
    %dma_wait3A_110 = arith.constant 0 : i32
    %dma_wait3A_111 = tpu.memref_slice %arg4[%arg1, %dma_wait3A_108, %dma_wait3A_109, %dma_wait3A_110] : memref<16x3x16x2048xf32, #tpu.memory_space<vmem_shared>> -> memref<1x1x16x2048xf32, #tpu.memory_space<vmem_shared>>
    %dma_wait3A_112 = tpu.memref_squeeze %dma_wait3A_111 : memref<1x1x16x2048xf32, #tpu.memory_space<vmem_shared>> -> memref<16x2048xf32, #tpu.memory_space<vmem_shared>>
    %dma_wait3A_113 = arith.constant 0 : i32
    %dma_wait3A_114 = tpu.memref_slice %arg2[%add3A_68, %dma_wait3A_113] : memref<8192x2048xf32, #tpu.memory_space<hbm>> -> memref<16x2048xf32, #tpu.memory_space<hbm>>
    tpu.wait_dma2 semaphore(%arg5 : memref<!tpu.dma_semaphore, #tpu.memory_space<semaphore_mem>>) src(%dma_wait3A_114 : memref<16x2048xf32, #tpu.memory_space<hbm>>) dst(%dma_wait3A_112 : memref<16x2048xf32, #tpu.memory_space<vmem_shared>>)
    %add3A_115 = arith.constant 48 : i32
    %add3A_116 = arith.addi %mul3A_2, %add3A_115 : i32
    %dma_start3A_117 = arith.constant 0 : i32
    %dma_start3A_118 = arith.constant 0 : i32
    %dma_start3A_119 = tpu.memref_slice %arg3[%add3A_116, %dma_start3A_118] : memref<8192x2048xf32, #tpu.memory_space<hbm>> -> memref<16x2048xf32, #tpu.memory_space<hbm>>
    %dma_start3A_120 = arith.constant 0 : i32
    %dma_start3A_121 = arith.constant 0 : i32
    %dma_start3A_122 = tpu.memref_slice %arg4[%arg1, %dma_start3A_117, %dma_start3A_120, %dma_start3A_121] : memref<16x3x16x2048xf32, #tpu.memory_space<vmem_shared>> -> memref<1x1x16x2048xf32, #tpu.memory_space<vmem_shared>>
    %dma_start3A_123 = tpu.memref_squeeze %dma_start3A_122 : memref<1x1x16x2048xf32, #tpu.memory_space<vmem_shared>> -> memref<16x2048xf32, #tpu.memory_space<vmem_shared>>
    tpu.enqueue_dma source(%dma_start3A_123 : memref<16x2048xf32, #tpu.memory_space<vmem_shared>>) target(%dma_start3A_119 : memref<16x2048xf32, #tpu.memory_space<hbm>>) target_semaphore(%arg8 : memref<!tpu.dma_semaphore, #tpu.memory_space<semaphore_mem>>)
    %dma_wait3A_124 = arith.constant 2 : i32
    %dma_wait3A_125 = arith.constant 0 : i32
    %dma_wait3A_126 = tpu.memref_slice %arg3[%add3A_84, %dma_wait3A_125] : memref<8192x2048xf32, #tpu.memory_space<hbm>> -> memref<16x2048xf32, #tpu.memory_space<hbm>>
    %dma_wait3A_127 = arith.constant 0 : i32
    %dma_wait3A_128 = arith.constant 0 : i32
    %dma_wait3A_129 = tpu.memref_slice %arg4[%arg1, %dma_wait3A_124, %dma_wait3A_127, %dma_wait3A_128] : memref<16x3x16x2048xf32, #tpu.memory_space<vmem_shared>> -> memref<1x1x16x2048xf32, #tpu.memory_space<vmem_shared>>
    %dma_wait3A_130 = tpu.memref_squeeze %dma_wait3A_129 : memref<1x1x16x2048xf32, #tpu.memory_space<vmem_shared>> -> memref<16x2048xf32, #tpu.memory_space<vmem_shared>>
    tpu.wait_dma2 semaphore(%arg10 : memref<!tpu.dma_semaphore, #tpu.memory_space<semaphore_mem>>) src(%dma_wait3A_130 : memref<16x2048xf32, #tpu.memory_space<vmem_shared>>) dst(%dma_wait3A_126 : memref<16x2048xf32, #tpu.memory_space<hbm>>)
    %add3A_131 = arith.constant 80 : i32
    %add3A_132 = arith.addi %mul3A_2, %add3A_131 : i32
    %dma_start3A_133 = arith.constant 2 : i32
    %dma_start3A_134 = arith.constant 0 : i32
    %dma_start3A_135 = arith.constant 0 : i32
    %dma_start3A_136 = tpu.memref_slice %arg4[%arg1, %dma_start3A_133, %dma_start3A_134, %dma_start3A_135] : memref<16x3x16x2048xf32, #tpu.memory_space<vmem_shared>> -> memref<1x1x16x2048xf32, #tpu.memory_space<vmem_shared>>
    %dma_start3A_137 = tpu.memref_squeeze %dma_start3A_136 : memref<1x1x16x2048xf32, #tpu.memory_space<vmem_shared>> -> memref<16x2048xf32, #tpu.memory_space<vmem_shared>>
    %dma_start3A_138 = arith.constant 0 : i32
    %dma_start3A_139 = tpu.memref_slice %arg2[%add3A_132, %dma_start3A_138] : memref<8192x2048xf32, #tpu.memory_space<hbm>> -> memref<16x2048xf32, #tpu.memory_space<hbm>>
    tpu.enqueue_dma source(%dma_start3A_139 : memref<16x2048xf32, #tpu.memory_space<hbm>>) target(%dma_start3A_137 : memref<16x2048xf32, #tpu.memory_space<vmem_shared>>) target_semaphore(%arg7 : memref<!tpu.dma_semaphore, #tpu.memory_space<semaphore_mem>>)
    %dma_wait3A_140 = arith.constant 1 : i32
    %dma_wait3A_141 = arith.constant 0 : i32
    %dma_wait3A_142 = arith.constant 0 : i32
    %dma_wait3A_143 = tpu.memref_slice %arg4[%arg1, %dma_wait3A_140, %dma_wait3A_141, %dma_wait3A_142] : memref<16x3x16x2048xf32, #tpu.memory_space<vmem_shared>> -> memref<1x1x16x2048xf32, #tpu.memory_space<vmem_shared>>
    %dma_wait3A_144 = tpu.memref_squeeze %dma_wait3A_143 : memref<1x1x16x2048xf32, #tpu.memory_space<vmem_shared>> -> memref<16x2048xf32, #tpu.memory_space<vmem_shared>>
    %dma_wait3A_145 = arith.constant 0 : i32
    %dma_wait3A_146 = tpu.memref_slice %arg2[%add3A_100, %dma_wait3A_145] : memref<8192x2048xf32, #tpu.memory_space<hbm>> -> memref<16x2048xf32, #tpu.memory_space<hbm>>
    tpu.wait_dma2 semaphore(%arg6 : memref<!tpu.dma_semaphore, #tpu.memory_space<semaphore_mem>>) src(%dma_wait3A_146 : memref<16x2048xf32, #tpu.memory_space<hbm>>) dst(%dma_wait3A_144 : memref<16x2048xf32, #tpu.memory_space<vmem_shared>>)
    %add3A_147 = arith.constant 64 : i32
    %add3A_148 = arith.addi %mul3A_2, %add3A_147 : i32
    %dma_start3A_149 = arith.constant 1 : i32
    %dma_start3A_150 = arith.constant 0 : i32
    %dma_start3A_151 = tpu.memref_slice %arg3[%add3A_148, %dma_start3A_150] : memref<8192x2048xf32, #tpu.memory_space<hbm>> -> memref<16x2048xf32, #tpu.memory_space<hbm>>
    %dma_start3A_152 = arith.constant 0 : i32
    %dma_start3A_153 = arith.constant 0 : i32
    %dma_start3A_154 = tpu.memref_slice %arg4[%arg1, %dma_start3A_149, %dma_start3A_152, %dma_start3A_153] : memref<16x3x16x2048xf32, #tpu.memory_space<vmem_shared>> -> memref<1x1x16x2048xf32, #tpu.memory_space<vmem_shared>>
    %dma_start3A_155 = tpu.memref_squeeze %dma_start3A_154 : memref<1x1x16x2048xf32, #tpu.memory_space<vmem_shared>> -> memref<16x2048xf32, #tpu.memory_space<vmem_shared>>
    tpu.enqueue_dma source(%dma_start3A_155 : memref<16x2048xf32, #tpu.memory_space<vmem_shared>>) target(%dma_start3A_151 : memref<16x2048xf32, #tpu.memory_space<hbm>>) target_semaphore(%arg9 : memref<!tpu.dma_semaphore, #tpu.memory_space<semaphore_mem>>)
    %dma_wait3A_156 = arith.constant 0 : i32
    %dma_wait3A_157 = arith.constant 0 : i32
    %dma_wait3A_158 = tpu.memref_slice %arg3[%add3A_116, %dma_wait3A_157] : memref<8192x2048xf32, #tpu.memory_space<hbm>> -> memref<16x2048xf32, #tpu.memory_space<hbm>>
    %dma_wait3A_159 = arith.constant 0 : i32
    %dma_wait3A_160 = arith.constant 0 : i32
    %dma_wait3A_161 = tpu.memref_slice %arg4[%arg1, %dma_wait3A_156, %dma_wait3A_159, %dma_wait3A_160] : memref<16x3x16x2048xf32, #tpu.memory_space<vmem_shared>> -> memref<1x1x16x2048xf32, #tpu.memory_space<vmem_shared>>
    %dma_wait3A_162 = tpu.memref_squeeze %dma_wait3A_161 : memref<1x1x16x2048xf32, #tpu.memory_space<vmem_shared>> -> memref<16x2048xf32, #tpu.memory_space<vmem_shared>>
    tpu.wait_dma2 semaphore(%arg8 : memref<!tpu.dma_semaphore, #tpu.memory_space<semaphore_mem>>) src(%dma_wait3A_162 : memref<16x2048xf32, #tpu.memory_space<vmem_shared>>) dst(%dma_wait3A_158 : memref<16x2048xf32, #tpu.memory_space<hbm>>)
    %add3A_163 = arith.constant 96 : i32
    %add3A_164 = arith.addi %mul3A_2, %add3A_163 : i32
    %dma_start3A_165 = arith.constant 0 : i32
    %dma_start3A_166 = arith.constant 0 : i32
    %dma_start3A_167 = arith.constant 0 : i32
    %dma_start3A_168 = tpu.memref_slice %arg4[%arg1, %dma_start3A_165, %dma_start3A_166, %dma_start3A_167] : memref<16x3x16x2048xf32, #tpu.memory_space<vmem_shared>> -> memref<1x1x16x2048xf32, #tpu.memory_space<vmem_shared>>
    %dma_start3A_169 = tpu.memref_squeeze %dma_start3A_168 : memref<1x1x16x2048xf32, #tpu.memory_space<vmem_shared>> -> memref<16x2048xf32, #tpu.memory_space<vmem_shared>>
    %dma_start3A_170 = arith.constant 0 : i32
    %dma_start3A_171 = tpu.memref_slice %arg2[%add3A_164, %dma_start3A_170] : memref<8192x2048xf32, #tpu.memory_space<hbm>> -> memref<16x2048xf32, #tpu.memory_space<hbm>>
    tpu.enqueue_dma source(%dma_start3A_171 : memref<16x2048xf32, #tpu.memory_space<hbm>>) target(%dma_start3A_169 : memref<16x2048xf32, #tpu.memory_space<vmem_shared>>) target_semaphore(%arg5 : memref<!tpu.dma_semaphore, #tpu.memory_space<semaphore_mem>>)
    %dma_wait3A_172 = arith.constant 2 : i32
    %dma_wait3A_173 = arith.constant 0 : i32
    %dma_wait3A_174 = arith.constant 0 : i32
    %dma_wait3A_175 = tpu.memref_slice %arg4[%arg1, %dma_wait3A_172, %dma_wait3A_173, %dma_wait3A_174] : memref<16x3x16x2048xf32, #tpu.memory_space<vmem_shared>> -> memref<1x1x16x2048xf32, #tpu.memory_space<vmem_shared>>
    %dma_wait3A_176 = tpu.memref_squeeze %dma_wait3A_175 : memref<1x1x16x2048xf32, #tpu.memory_space<vmem_shared>> -> memref<16x2048xf32, #tpu.memory_space<vmem_shared>>
    %dma_wait3A_177 = arith.constant 0 : i32
    %dma_wait3A_178 = tpu.memref_slice %arg2[%add3A_132, %dma_wait3A_177] : memref<8192x2048xf32, #tpu.memory_space<hbm>> -> memref<16x2048xf32, #tpu.memory_space<hbm>>
    tpu.wait_dma2 semaphore(%arg7 : memref<!tpu.dma_semaphore, #tpu.memory_space<semaphore_mem>>) src(%dma_wait3A_178 : memref<16x2048xf32, #tpu.memory_space<hbm>>) dst(%dma_wait3A_176 : memref<16x2048xf32, #tpu.memory_space<vmem_shared>>)
    %add3A_179 = arith.constant 80 : i32
    %add3A_180 = arith.addi %mul3A_2, %add3A_179 : i32
    %dma_start3A_181 = arith.constant 2 : i32
    %dma_start3A_182 = arith.constant 0 : i32
    %dma_start3A_183 = tpu.memref_slice %arg3[%add3A_180, %dma_start3A_182] : memref<8192x2048xf32, #tpu.memory_space<hbm>> -> memref<16x2048xf32, #tpu.memory_space<hbm>>
    %dma_start3A_184 = arith.constant 0 : i32
    %dma_start3A_185 = arith.constant 0 : i32
    %dma_start3A_186 = tpu.memref_slice %arg4[%arg1, %dma_start3A_181, %dma_start3A_184, %dma_start3A_185] : memref<16x3x16x2048xf32, #tpu.memory_space<vmem_shared>> -> memref<1x1x16x2048xf32, #tpu.memory_space<vmem_shared>>
    %dma_start3A_187 = tpu.memref_squeeze %dma_start3A_186 : memref<1x1x16x2048xf32, #tpu.memory_space<vmem_shared>> -> memref<16x2048xf32, #tpu.memory_space<vmem_shared>>
    tpu.enqueue_dma source(%dma_start3A_187 : memref<16x2048xf32, #tpu.memory_space<vmem_shared>>) target(%dma_start3A_183 : memref<16x2048xf32, #tpu.memory_space<hbm>>) target_semaphore(%arg10 : memref<!tpu.dma_semaphore, #tpu.memory_space<semaphore_mem>>)
    %dma_wait3A_188 = arith.constant 1 : i32
    %dma_wait3A_189 = arith.constant 0 : i32
    %dma_wait3A_190 = tpu.memref_slice %arg3[%add3A_148, %dma_wait3A_189] : memref<8192x2048xf32, #tpu.memory_space<hbm>> -> memref<16x2048xf32, #tpu.memory_space<hbm>>
    %dma_wait3A_191 = arith.constant 0 : i32
    %dma_wait3A_192 = arith.constant 0 : i32
    %dma_wait3A_193 = tpu.memref_slice %arg4[%arg1, %dma_wait3A_188, %dma_wait3A_191, %dma_wait3A_192] : memref<16x3x16x2048xf32, #tpu.memory_space<vmem_shared>> -> memref<1x1x16x2048xf32, #tpu.memory_space<vmem_shared>>
    %dma_wait3A_194 = tpu.memref_squeeze %dma_wait3A_193 : memref<1x1x16x2048xf32, #tpu.memory_space<vmem_shared>> -> memref<16x2048xf32, #tpu.memory_space<vmem_shared>>
    tpu.wait_dma2 semaphore(%arg9 : memref<!tpu.dma_semaphore, #tpu.memory_space<semaphore_mem>>) src(%dma_wait3A_194 : memref<16x2048xf32, #tpu.memory_space<vmem_shared>>) dst(%dma_wait3A_190 : memref<16x2048xf32, #tpu.memory_space<hbm>>)
    %add3A_195 = arith.constant 112 : i32
    %add3A_196 = arith.addi %mul3A_2, %add3A_195 : i32
    %dma_start3A_197 = arith.constant 1 : i32
    %dma_start3A_198 = arith.constant 0 : i32
    %dma_start3A_199 = arith.constant 0 : i32
    %dma_start3A_200 = tpu.memref_slice %arg4[%arg1, %dma_start3A_197, %dma_start3A_198, %dma_start3A_199] : memref<16x3x16x2048xf32, #tpu.memory_space<vmem_shared>> -> memref<1x1x16x2048xf32, #tpu.memory_space<vmem_shared>>
    %dma_start3A_201 = tpu.memref_squeeze %dma_start3A_200 : memref<1x1x16x2048xf32, #tpu.memory_space<vmem_shared>> -> memref<16x2048xf32, #tpu.memory_space<vmem_shared>>
    %dma_start3A_202 = arith.constant 0 : i32
    %dma_start3A_203 = tpu.memref_slice %arg2[%add3A_196, %dma_start3A_202] : memref<8192x2048xf32, #tpu.memory_space<hbm>> -> memref<16x2048xf32, #tpu.memory_space<hbm>>
    tpu.enqueue_dma source(%dma_start3A_203 : memref<16x2048xf32, #tpu.memory_space<hbm>>) target(%dma_start3A_201 : memref<16x2048xf32, #tpu.memory_space<vmem_shared>>) target_semaphore(%arg6 : memref<!tpu.dma_semaphore, #tpu.memory_space<semaphore_mem>>)
    %dma_wait3A_204 = arith.constant 0 : i32
    %dma_wait3A_205 = arith.constant 0 : i32
    %dma_wait3A_206 = arith.constant 0 : i32
    %dma_wait3A_207 = tpu.memref_slice %arg4[%arg1, %dma_wait3A_204, %dma_wait3A_205, %dma_wait3A_206] : memref<16x3x16x2048xf32, #tpu.memory_space<vmem_shared>> -> memref<1x1x16x2048xf32, #tpu.memory_space<vmem_shared>>
    %dma_wait3A_208 = tpu.memref_squeeze %dma_wait3A_207 : memref<1x1x16x2048xf32, #tpu.memory_space<vmem_shared>> -> memref<16x2048xf32, #tpu.memory_space<vmem_shared>>
    %dma_wait3A_209 = arith.constant 0 : i32
    %dma_wait3A_210 = tpu.memref_slice %arg2[%add3A_164, %dma_wait3A_209] : memref<8192x2048xf32, #tpu.memory_space<hbm>> -> memref<16x2048xf32, #tpu.memory_space<hbm>>
    tpu.wait_dma2 semaphore(%arg5 : memref<!tpu.dma_semaphore, #tpu.memory_space<semaphore_mem>>) src(%dma_wait3A_210 : memref<16x2048xf32, #tpu.memory_space<hbm>>) dst(%dma_wait3A_208 : memref<16x2048xf32, #tpu.memory_space<vmem_shared>>)
    %add3A_211 = arith.constant 96 : i32
    %add3A_212 = arith.addi %mul3A_2, %add3A_211 : i32
    %dma_start3A_213 = arith.constant 0 : i32
    %dma_start3A_214 = arith.constant 0 : i32
    %dma_start3A_215 = tpu.memref_slice %arg3[%add3A_212, %dma_start3A_214] : memref<8192x2048xf32, #tpu.memory_space<hbm>> -> memref<16x2048xf32, #tpu.memory_space<hbm>>
    %dma_start3A_216 = arith.constant 0 : i32
    %dma_start3A_217 = arith.constant 0 : i32
    %dma_start3A_218 = tpu.memref_slice %arg4[%arg1, %dma_start3A_213, %dma_start3A_216, %dma_start3A_217] : memref<16x3x16x2048xf32, #tpu.memory_space<vmem_shared>> -> memref<1x1x16x2048xf32, #tpu.memory_space<vmem_shared>>
    %dma_start3A_219 = tpu.memref_squeeze %dma_start3A_218 : memref<1x1x16x2048xf32, #tpu.memory_space<vmem_shared>> -> memref<16x2048xf32, #tpu.memory_space<vmem_shared>>
    tpu.enqueue_dma source(%dma_start3A_219 : memref<16x2048xf32, #tpu.memory_space<vmem_shared>>) target(%dma_start3A_215 : memref<16x2048xf32, #tpu.memory_space<hbm>>) target_semaphore(%arg8 : memref<!tpu.dma_semaphore, #tpu.memory_space<semaphore_mem>>)
    %dma_wait3A_220 = arith.constant 2 : i32
    %dma_wait3A_221 = arith.constant 0 : i32
    %dma_wait3A_222 = tpu.memref_slice %arg3[%add3A_180, %dma_wait3A_221] : memref<8192x2048xf32, #tpu.memory_space<hbm>> -> memref<16x2048xf32, #tpu.memory_space<hbm>>
    %dma_wait3A_223 = arith.constant 0 : i32
    %dma_wait3A_224 = arith.constant 0 : i32
    %dma_wait3A_225 = tpu.memref_slice %arg4[%arg1, %dma_wait3A_220, %dma_wait3A_223, %dma_wait3A_224] : memref<16x3x16x2048xf32, #tpu.memory_space<vmem_shared>> -> memref<1x1x16x2048xf32, #tpu.memory_space<vmem_shared>>
    %dma_wait3A_226 = tpu.memref_squeeze %dma_wait3A_225 : memref<1x1x16x2048xf32, #tpu.memory_space<vmem_shared>> -> memref<16x2048xf32, #tpu.memory_space<vmem_shared>>
    tpu.wait_dma2 semaphore(%arg10 : memref<!tpu.dma_semaphore, #tpu.memory_space<semaphore_mem>>) src(%dma_wait3A_226 : memref<16x2048xf32, #tpu.memory_space<vmem_shared>>) dst(%dma_wait3A_222 : memref<16x2048xf32, #tpu.memory_space<hbm>>)
    %add3A_227 = arith.constant 128 : i32
    %add3A_228 = arith.addi %mul3A_2, %add3A_227 : i32
    %dma_start3A_229 = arith.constant 2 : i32
    %dma_start3A_230 = arith.constant 0 : i32
    %dma_start3A_231 = arith.constant 0 : i32
    %dma_start3A_232 = tpu.memref_slice %arg4[%arg1, %dma_start3A_229, %dma_start3A_230, %dma_start3A_231] : memref<16x3x16x2048xf32, #tpu.memory_space<vmem_shared>> -> memref<1x1x16x2048xf32, #tpu.memory_space<vmem_shared>>
    %dma_start3A_233 = tpu.memref_squeeze %dma_start3A_232 : memref<1x1x16x2048xf32, #tpu.memory_space<vmem_shared>> -> memref<16x2048xf32, #tpu.memory_space<vmem_shared>>
    %dma_start3A_234 = arith.constant 0 : i32
    %dma_start3A_235 = tpu.memref_slice %arg2[%add3A_228, %dma_start3A_234] : memref<8192x2048xf32, #tpu.memory_space<hbm>> -> memref<16x2048xf32, #tpu.memory_space<hbm>>
    tpu.enqueue_dma source(%dma_start3A_235 : memref<16x2048xf32, #tpu.memory_space<hbm>>) target(%dma_start3A_233 : memref<16x2048xf32, #tpu.memory_space<vmem_shared>>) target_semaphore(%arg7 : memref<!tpu.dma_semaphore, #tpu.memory_space<semaphore_mem>>)
    %dma_wait3A_236 = arith.constant 1 : i32
    %dma_wait3A_237 = arith.constant 0 : i32
    %dma_wait3A_238 = arith.constant 0 : i32
    %dma_wait3A_239 = tpu.memref_slice %arg4[%arg1, %dma_wait3A_236, %dma_wait3A_237, %dma_wait3A_238] : memref<16x3x16x2048xf32, #tpu.memory_space<vmem_shared>> -> memref<1x1x16x2048xf32, #tpu.memory_space<vmem_shared>>
    %dma_wait3A_240 = tpu.memref_squeeze %dma_wait3A_239 : memref<1x1x16x2048xf32, #tpu.memory_space<vmem_shared>> -> memref<16x2048xf32, #tpu.memory_space<vmem_shared>>
    %dma_wait3A_241 = arith.constant 0 : i32
    %dma_wait3A_242 = tpu.memref_slice %arg2[%add3A_196, %dma_wait3A_241] : memref<8192x2048xf32, #tpu.memory_space<hbm>> -> memref<16x2048xf32, #tpu.memory_space<hbm>>
    tpu.wait_dma2 semaphore(%arg6 : memref<!tpu.dma_semaphore, #tpu.memory_space<semaphore_mem>>) src(%dma_wait3A_242 : memref<16x2048xf32, #tpu.memory_space<hbm>>) dst(%dma_wait3A_240 : memref<16x2048xf32, #tpu.memory_space<vmem_shared>>)
    %add3A_243 = arith.constant 112 : i32
    %add3A_244 = arith.addi %mul3A_2, %add3A_243 : i32
    %dma_start3A_245 = arith.constant 1 : i32
    %dma_start3A_246 = arith.constant 0 : i32
    %dma_start3A_247 = tpu.memref_slice %arg3[%add3A_244, %dma_start3A_246] : memref<8192x2048xf32, #tpu.memory_space<hbm>> -> memref<16x2048xf32, #tpu.memory_space<hbm>>
    %dma_start3A_248 = arith.constant 0 : i32
    %dma_start3A_249 = arith.constant 0 : i32
    %dma_start3A_250 = tpu.memref_slice %arg4[%arg1, %dma_start3A_245, %dma_start3A_248, %dma_start3A_249] : memref<16x3x16x2048xf32, #tpu.memory_space<vmem_shared>> -> memref<1x1x16x2048xf32, #tpu.memory_space<vmem_shared>>
    %dma_start3A_251 = tpu.memref_squeeze %dma_start3A_250 : memref<1x1x16x2048xf32, #tpu.memory_space<vmem_shared>> -> memref<16x2048xf32, #tpu.memory_space<vmem_shared>>
    tpu.enqueue_dma source(%dma_start3A_251 : memref<16x2048xf32, #tpu.memory_space<vmem_shared>>) target(%dma_start3A_247 : memref<16x2048xf32, #tpu.memory_space<hbm>>) target_semaphore(%arg9 : memref<!tpu.dma_semaphore, #tpu.memory_space<semaphore_mem>>)
    %dma_wait3A_252 = arith.constant 0 : i32
    %dma_wait3A_253 = arith.constant 0 : i32
    %dma_wait3A_254 = tpu.memref_slice %arg3[%add3A_212, %dma_wait3A_253] : memref<8192x2048xf32, #tpu.memory_space<hbm>> -> memref<16x2048xf32, #tpu.memory_space<hbm>>
    %dma_wait3A_255 = arith.constant 0 : i32
    %dma_wait3A_256 = arith.constant 0 : i32
    %dma_wait3A_257 = tpu.memref_slice %arg4[%arg1, %dma_wait3A_252, %dma_wait3A_255, %dma_wait3A_256] : memref<16x3x16x2048xf32, #tpu.memory_space<vmem_shared>> -> memref<1x1x16x2048xf32, #tpu.memory_space<vmem_shared>>
    %dma_wait3A_258 = tpu.memref_squeeze %dma_wait3A_257 : memref<1x1x16x2048xf32, #tpu.memory_space<vmem_shared>> -> memref<16x2048xf32, #tpu.memory_space<vmem_shared>>
    tpu.wait_dma2 semaphore(%arg8 : memref<!tpu.dma_semaphore, #tpu.memory_space<semaphore_mem>>) src(%dma_wait3A_258 : memref<16x2048xf32, #tpu.memory_space<vmem_shared>>) dst(%dma_wait3A_254 : memref<16x2048xf32, #tpu.memory_space<hbm>>)
    %add3A_259 = arith.constant 144 : i32
    %add3A_260 = arith.addi %mul3A_2, %add3A_259 : i32
    %dma_start3A_261 = arith.constant 0 : i32
    %dma_start3A_262 = arith.constant 0 : i32
    %dma_start3A_263 = arith.constant 0 : i32
    %dma_start3A_264 = tpu.memref_slice %arg4[%arg1, %dma_start3A_261, %dma_start3A_262, %dma_start3A_263] : memref<16x3x16x2048xf32, #tpu.memory_space<vmem_shared>> -> memref<1x1x16x2048xf32, #tpu.memory_space<vmem_shared>>
    %dma_start3A_265 = tpu.memref_squeeze %dma_start3A_264 : memref<1x1x16x2048xf32, #tpu.memory_space<vmem_shared>> -> memref<16x2048xf32, #tpu.memory_space<vmem_shared>>
    %dma_start3A_266 = arith.constant 0 : i32
    %dma_start3A_267 = tpu.memref_slice %arg2[%add3A_260, %dma_start3A_266] : memref<8192x2048xf32, #tpu.memory_space<hbm>> -> memref<16x2048xf32, #tpu.memory_space<hbm>>
    tpu.enqueue_dma source(%dma_start3A_267 : memref<16x2048xf32, #tpu.memory_space<hbm>>) target(%dma_start3A_265 : memref<16x2048xf32, #tpu.memory_space<vmem_shared>>) target_semaphore(%arg5 : memref<!tpu.dma_semaphore, #tpu.memory_space<semaphore_mem>>)
    %dma_wait3A_268 = arith.constant 2 : i32
    %dma_wait3A_269 = arith.constant 0 : i32
    %dma_wait3A_270 = arith.constant 0 : i32
    %dma_wait3A_271 = tpu.memref_slice %arg4[%arg1, %dma_wait3A_268, %dma_wait3A_269, %dma_wait3A_270] : memref<16x3x16x2048xf32, #tpu.memory_space<vmem_shared>> -> memref<1x1x16x2048xf32, #tpu.memory_space<vmem_shared>>
    %dma_wait3A_272 = tpu.memref_squeeze %dma_wait3A_271 : memref<1x1x16x2048xf32, #tpu.memory_space<vmem_shared>> -> memref<16x2048xf32, #tpu.memory_space<vmem_shared>>
    %dma_wait3A_273 = arith.constant 0 : i32
    %dma_wait3A_274 = tpu.memref_slice %arg2[%add3A_228, %dma_wait3A_273] : memref<8192x2048xf32, #tpu.memory_space<hbm>> -> memref<16x2048xf32, #tpu.memory_space<hbm>>
    tpu.wait_dma2 semaphore(%arg7 : memref<!tpu.dma_semaphore, #tpu.memory_space<semaphore_mem>>) src(%dma_wait3A_274 : memref<16x2048xf32, #tpu.memory_space<hbm>>) dst(%dma_wait3A_272 : memref<16x2048xf32, #tpu.memory_space<vmem_shared>>)
    %add3A_275 = arith.constant 128 : i32
    %add3A_276 = arith.addi %mul3A_2, %add3A_275 : i32
    %dma_start3A_277 = arith.constant 2 : i32
    %dma_start3A_278 = arith.constant 0 : i32
    %dma_start3A_279 = tpu.memref_slice %arg3[%add3A_276, %dma_start3A_278] : memref<8192x2048xf32, #tpu.memory_space<hbm>> -> memref<16x2048xf32, #tpu.memory_space<hbm>>
    %dma_start3A_280 = arith.constant 0 : i32
    %dma_start3A_281 = arith.constant 0 : i32
    %dma_start3A_282 = tpu.memref_slice %arg4[%arg1, %dma_start3A_277, %dma_start3A_280, %dma_start3A_281] : memref<16x3x16x2048xf32, #tpu.memory_space<vmem_shared>> -> memref<1x1x16x2048xf32, #tpu.memory_space<vmem_shared>>
    %dma_start3A_283 = tpu.memref_squeeze %dma_start3A_282 : memref<1x1x16x2048xf32, #tpu.memory_space<vmem_shared>> -> memref<16x2048xf32, #tpu.memory_space<vmem_shared>>
    tpu.enqueue_dma source(%dma_start3A_283 : memref<16x2048xf32, #tpu.memory_space<vmem_shared>>) target(%dma_start3A_279 : memref<16x2048xf32, #tpu.memory_space<hbm>>) target_semaphore(%arg10 : memref<!tpu.dma_semaphore, #tpu.memory_space<semaphore_mem>>)
    %dma_wait3A_284 = arith.constant 1 : i32
    %dma_wait3A_285 = arith.constant 0 : i32
    %dma_wait3A_286 = tpu.memref_slice %arg3[%add3A_244, %dma_wait3A_285] : memref<8192x2048xf32, #tpu.memory_space<hbm>> -> memref<16x2048xf32, #tpu.memory_space<hbm>>
    %dma_wait3A_287 = arith.constant 0 : i32
    %dma_wait3A_288 = arith.constant 0 : i32
    %dma_wait3A_289 = tpu.memref_slice %arg4[%arg1, %dma_wait3A_284, %dma_wait3A_287, %dma_wait3A_288] : memref<16x3x16x2048xf32, #tpu.memory_space<vmem_shared>> -> memref<1x1x16x2048xf32, #tpu.memory_space<vmem_shared>>
    %dma_wait3A_290 = tpu.memref_squeeze %dma_wait3A_289 : memref<1x1x16x2048xf32, #tpu.memory_space<vmem_shared>> -> memref<16x2048xf32, #tpu.memory_space<vmem_shared>>
    tpu.wait_dma2 semaphore(%arg9 : memref<!tpu.dma_semaphore, #tpu.memory_space<semaphore_mem>>) src(%dma_wait3A_290 : memref<16x2048xf32, #tpu.memory_space<vmem_shared>>) dst(%dma_wait3A_286 : memref<16x2048xf32, #tpu.memory_space<hbm>>)
    %add3A_291 = arith.constant 160 : i32
    %add3A_292 = arith.addi %mul3A_2, %add3A_291 : i32
    %dma_start3A_293 = arith.constant 1 : i32
    %dma_start3A_294 = arith.constant 0 : i32
    %dma_start3A_295 = arith.constant 0 : i32
    %dma_start3A_296 = tpu.memref_slice %arg4[%arg1, %dma_start3A_293, %dma_start3A_294, %dma_start3A_295] : memref<16x3x16x2048xf32, #tpu.memory_space<vmem_shared>> -> memref<1x1x16x2048xf32, #tpu.memory_space<vmem_shared>>
    %dma_start3A_297 = tpu.memref_squeeze %dma_start3A_296 : memref<1x1x16x2048xf32, #tpu.memory_space<vmem_shared>> -> memref<16x2048xf32, #tpu.memory_space<vmem_shared>>
    %dma_start3A_298 = arith.constant 0 : i32
    %dma_start3A_299 = tpu.memref_slice %arg2[%add3A_292, %dma_start3A_298] : memref<8192x2048xf32, #tpu.memory_space<hbm>> -> memref<16x2048xf32, #tpu.memory_space<hbm>>
    tpu.enqueue_dma source(%dma_start3A_299 : memref<16x2048xf32, #tpu.memory_space<hbm>>) target(%dma_start3A_297 : memref<16x2048xf32, #tpu.memory_space<vmem_shared>>) target_semaphore(%arg6 : memref<!tpu.dma_semaphore, #tpu.memory_space<semaphore_mem>>)
    %dma_wait3A_300 = arith.constant 0 : i32
    %dma_wait3A_301 = arith.constant 0 : i32
    %dma_wait3A_302 = arith.constant 0 : i32
    %dma_wait3A_303 = tpu.memref_slice %arg4[%arg1, %dma_wait3A_300, %dma_wait3A_301, %dma_wait3A_302] : memref<16x3x16x2048xf32, #tpu.memory_space<vmem_shared>> -> memref<1x1x16x2048xf32, #tpu.memory_space<vmem_shared>>
    %dma_wait3A_304 = tpu.memref_squeeze %dma_wait3A_303 : memref<1x1x16x2048xf32, #tpu.memory_space<vmem_shared>> -> memref<16x2048xf32, #tpu.memory_space<vmem_shared>>
    %dma_wait3A_305 = arith.constant 0 : i32
    %dma_wait3A_306 = tpu.memref_slice %arg2[%add3A_260, %dma_wait3A_305] : memref<8192x2048xf32, #tpu.memory_space<hbm>> -> memref<16x2048xf32, #tpu.memory_space<hbm>>
    tpu.wait_dma2 semaphore(%arg5 : memref<!tpu.dma_semaphore, #tpu.memory_space<semaphore_mem>>) src(%dma_wait3A_306 : memref<16x2048xf32, #tpu.memory_space<hbm>>) dst(%dma_wait3A_304 : memref<16x2048xf32, #tpu.memory_space<vmem_shared>>)
    %add3A_307 = arith.constant 144 : i32
    %add3A_308 = arith.addi %mul3A_2, %add3A_307 : i32
    %dma_start3A_309 = arith.constant 0 : i32
    %dma_start3A_310 = arith.constant 0 : i32
    %dma_start3A_311 = tpu.memref_slice %arg3[%add3A_308, %dma_start3A_310] : memref<8192x2048xf32, #tpu.memory_space<hbm>> -> memref<16x2048xf32, #tpu.memory_space<hbm>>
    %dma_start3A_312 = arith.constant 0 : i32
    %dma_start3A_313 = arith.constant 0 : i32
    %dma_start3A_314 = tpu.memref_slice %arg4[%arg1, %dma_start3A_309, %dma_start3A_312, %dma_start3A_313] : memref<16x3x16x2048xf32, #tpu.memory_space<vmem_shared>> -> memref<1x1x16x2048xf32, #tpu.memory_space<vmem_shared>>
    %dma_start3A_315 = tpu.memref_squeeze %dma_start3A_314 : memref<1x1x16x2048xf32, #tpu.memory_space<vmem_shared>> -> memref<16x2048xf32, #tpu.memory_space<vmem_shared>>
    tpu.enqueue_dma source(%dma_start3A_315 : memref<16x2048xf32, #tpu.memory_space<vmem_shared>>) target(%dma_start3A_311 : memref<16x2048xf32, #tpu.memory_space<hbm>>) target_semaphore(%arg8 : memref<!tpu.dma_semaphore, #tpu.memory_space<semaphore_mem>>)
    %dma_wait3A_316 = arith.constant 2 : i32
    %dma_wait3A_317 = arith.constant 0 : i32
    %dma_wait3A_318 = tpu.memref_slice %arg3[%add3A_276, %dma_wait3A_317] : memref<8192x2048xf32, #tpu.memory_space<hbm>> -> memref<16x2048xf32, #tpu.memory_space<hbm>>
    %dma_wait3A_319 = arith.constant 0 : i32
    %dma_wait3A_320 = arith.constant 0 : i32
    %dma_wait3A_321 = tpu.memref_slice %arg4[%arg1, %dma_wait3A_316, %dma_wait3A_319, %dma_wait3A_320] : memref<16x3x16x2048xf32, #tpu.memory_space<vmem_shared>> -> memref<1x1x16x2048xf32, #tpu.memory_space<vmem_shared>>
    %dma_wait3A_322 = tpu.memref_squeeze %dma_wait3A_321 : memref<1x1x16x2048xf32, #tpu.memory_space<vmem_shared>> -> memref<16x2048xf32, #tpu.memory_space<vmem_shared>>
    tpu.wait_dma2 semaphore(%arg10 : memref<!tpu.dma_semaphore, #tpu.memory_space<semaphore_mem>>) src(%dma_wait3A_322 : memref<16x2048xf32, #tpu.memory_space<vmem_shared>>) dst(%dma_wait3A_318 : memref<16x2048xf32, #tpu.memory_space<hbm>>)
    %add3A_323 = arith.constant 176 : i32
    %add3A_324 = arith.addi %mul3A_2, %add3A_323 : i32
    %dma_start3A_325 = arith.constant 2 : i32
    %dma_start3A_326 = arith.constant 0 : i32
    %dma_start3A_327 = arith.constant 0 : i32
    %dma_start3A_328 = tpu.memref_slice %arg4[%arg1, %dma_start3A_325, %dma_start3A_326, %dma_start3A_327] : memref<16x3x16x2048xf32, #tpu.memory_space<vmem_shared>> -> memref<1x1x16x2048xf32, #tpu.memory_space<vmem_shared>>
    %dma_start3A_329 = tpu.memref_squeeze %dma_start3A_328 : memref<1x1x16x2048xf32, #tpu.memory_space<vmem_shared>> -> memref<16x2048xf32, #tpu.memory_space<vmem_shared>>
    %dma_start3A_330 = arith.constant 0 : i32
    %dma_start3A_331 = tpu.memref_slice %arg2[%add3A_324, %dma_start3A_330] : memref<8192x2048xf32, #tpu.memory_space<hbm>> -> memref<16x2048xf32, #tpu.memory_space<hbm>>
    tpu.enqueue_dma source(%dma_start3A_331 : memref<16x2048xf32, #tpu.memory_space<hbm>>) target(%dma_start3A_329 : memref<16x2048xf32, #tpu.memory_space<vmem_shared>>) target_semaphore(%arg7 : memref<!tpu.dma_semaphore, #tpu.memory_space<semaphore_mem>>)
    %dma_wait3A_332 = arith.constant 1 : i32
    %dma_wait3A_333 = arith.constant 0 : i32
    %dma_wait3A_334 = arith.constant 0 : i32
    %dma_wait3A_335 = tpu.memref_slice %arg4[%arg1, %dma_wait3A_332, %dma_wait3A_333, %dma_wait3A_334] : memref<16x3x16x2048xf32, #tpu.memory_space<vmem_shared>> -> memref<1x1x16x2048xf32, #tpu.memory_space<vmem_shared>>
    %dma_wait3A_336 = tpu.memref_squeeze %dma_wait3A_335 : memref<1x1x16x2048xf32, #tpu.memory_space<vmem_shared>> -> memref<16x2048xf32, #tpu.memory_space<vmem_shared>>
    %dma_wait3A_337 = arith.constant 0 : i32
    %dma_wait3A_338 = tpu.memref_slice %arg2[%add3A_292, %dma_wait3A_337] : memref<8192x2048xf32, #tpu.memory_space<hbm>> -> memref<16x2048xf32, #tpu.memory_space<hbm>>
    tpu.wait_dma2 semaphore(%arg6 : memref<!tpu.dma_semaphore, #tpu.memory_space<semaphore_mem>>) src(%dma_wait3A_338 : memref<16x2048xf32, #tpu.memory_space<hbm>>) dst(%dma_wait3A_336 : memref<16x2048xf32, #tpu.memory_space<vmem_shared>>)
    %add3A_339 = arith.constant 160 : i32
    %add3A_340 = arith.addi %mul3A_2, %add3A_339 : i32
    %dma_start3A_341 = arith.constant 1 : i32
    %dma_start3A_342 = arith.constant 0 : i32
    %dma_start3A_343 = tpu.memref_slice %arg3[%add3A_340, %dma_start3A_342] : memref<8192x2048xf32, #tpu.memory_space<hbm>> -> memref<16x2048xf32, #tpu.memory_space<hbm>>
    %dma_start3A_344 = arith.constant 0 : i32
    %dma_start3A_345 = arith.constant 0 : i32
    %dma_start3A_346 = tpu.memref_slice %arg4[%arg1, %dma_start3A_341, %dma_start3A_344, %dma_start3A_345] : memref<16x3x16x2048xf32, #tpu.memory_space<vmem_shared>> -> memref<1x1x16x2048xf32, #tpu.memory_space<vmem_shared>>
    %dma_start3A_347 = tpu.memref_squeeze %dma_start3A_346 : memref<1x1x16x2048xf32, #tpu.memory_space<vmem_shared>> -> memref<16x2048xf32, #tpu.memory_space<vmem_shared>>
    tpu.enqueue_dma source(%dma_start3A_347 : memref<16x2048xf32, #tpu.memory_space<vmem_shared>>) target(%dma_start3A_343 : memref<16x2048xf32, #tpu.memory_space<hbm>>) target_semaphore(%arg9 : memref<!tpu.dma_semaphore, #tpu.memory_space<semaphore_mem>>)
    %dma_wait3A_348 = arith.constant 0 : i32
    %dma_wait3A_349 = arith.constant 0 : i32
    %dma_wait3A_350 = tpu.memref_slice %arg3[%add3A_308, %dma_wait3A_349] : memref<8192x2048xf32, #tpu.memory_space<hbm>> -> memref<16x2048xf32, #tpu.memory_space<hbm>>
    %dma_wait3A_351 = arith.constant 0 : i32
    %dma_wait3A_352 = arith.constant 0 : i32
    %dma_wait3A_353 = tpu.memref_slice %arg4[%arg1, %dma_wait3A_348, %dma_wait3A_351, %dma_wait3A_352] : memref<16x3x16x2048xf32, #tpu.memory_space<vmem_shared>> -> memref<1x1x16x2048xf32, #tpu.memory_space<vmem_shared>>
    %dma_wait3A_354 = tpu.memref_squeeze %dma_wait3A_353 : memref<1x1x16x2048xf32, #tpu.memory_space<vmem_shared>> -> memref<16x2048xf32, #tpu.memory_space<vmem_shared>>
    tpu.wait_dma2 semaphore(%arg8 : memref<!tpu.dma_semaphore, #tpu.memory_space<semaphore_mem>>) src(%dma_wait3A_354 : memref<16x2048xf32, #tpu.memory_space<vmem_shared>>) dst(%dma_wait3A_350 : memref<16x2048xf32, #tpu.memory_space<hbm>>)
    %add3A_355 = arith.constant 192 : i32
    %add3A_356 = arith.addi %mul3A_2, %add3A_355 : i32
    %dma_start3A_357 = arith.constant 0 : i32
    %dma_start3A_358 = arith.constant 0 : i32
    %dma_start3A_359 = arith.constant 0 : i32
    %dma_start3A_360 = tpu.memref_slice %arg4[%arg1, %dma_start3A_357, %dma_start3A_358, %dma_start3A_359] : memref<16x3x16x2048xf32, #tpu.memory_space<vmem_shared>> -> memref<1x1x16x2048xf32, #tpu.memory_space<vmem_shared>>
    %dma_start3A_361 = tpu.memref_squeeze %dma_start3A_360 : memref<1x1x16x2048xf32, #tpu.memory_space<vmem_shared>> -> memref<16x2048xf32, #tpu.memory_space<vmem_shared>>
    %dma_start3A_362 = arith.constant 0 : i32
    %dma_start3A_363 = tpu.memref_slice %arg2[%add3A_356, %dma_start3A_362] : memref<8192x2048xf32, #tpu.memory_space<hbm>> -> memref<16x2048xf32, #tpu.memory_space<hbm>>
    tpu.enqueue_dma source(%dma_start3A_363 : memref<16x2048xf32, #tpu.memory_space<hbm>>) target(%dma_start3A_361 : memref<16x2048xf32, #tpu.memory_space<vmem_shared>>) target_semaphore(%arg5 : memref<!tpu.dma_semaphore, #tpu.memory_space<semaphore_mem>>)
    %dma_wait3A_364 = arith.constant 2 : i32
    %dma_wait3A_365 = arith.constant 0 : i32
    %dma_wait3A_366 = arith.constant 0 : i32
    %dma_wait3A_367 = tpu.memref_slice %arg4[%arg1, %dma_wait3A_364, %dma_wait3A_365, %dma_wait3A_366] : memref<16x3x16x2048xf32, #tpu.memory_space<vmem_shared>> -> memref<1x1x16x2048xf32, #tpu.memory_space<vmem_shared>>
    %dma_wait3A_368 = tpu.memref_squeeze %dma_wait3A_367 : memref<1x1x16x2048xf32, #tpu.memory_space<vmem_shared>> -> memref<16x2048xf32, #tpu.memory_space<vmem_shared>>
    %dma_wait3A_369 = arith.constant 0 : i32
    %dma_wait3A_370 = tpu.memref_slice %arg2[%add3A_324, %dma_wait3A_369] : memref<8192x2048xf32, #tpu.memory_space<hbm>> -> memref<16x2048xf32, #tpu.memory_space<hbm>>
    tpu.wait_dma2 semaphore(%arg7 : memref<!tpu.dma_semaphore, #tpu.memory_space<semaphore_mem>>) src(%dma_wait3A_370 : memref<16x2048xf32, #tpu.memory_space<hbm>>) dst(%dma_wait3A_368 : memref<16x2048xf32, #tpu.memory_space<vmem_shared>>)
    %add3A_371 = arith.constant 176 : i32
    %add3A_372 = arith.addi %mul3A_2, %add3A_371 : i32
    %dma_start3A_373 = arith.constant 2 : i32
    %dma_start3A_374 = arith.constant 0 : i32
    %dma_start3A_375 = tpu.memref_slice %arg3[%add3A_372, %dma_start3A_374] : memref<8192x2048xf32, #tpu.memory_space<hbm>> -> memref<16x2048xf32, #tpu.memory_space<hbm>>
    %dma_start3A_376 = arith.constant 0 : i32
    %dma_start3A_377 = arith.constant 0 : i32
    %dma_start3A_378 = tpu.memref_slice %arg4[%arg1, %dma_start3A_373, %dma_start3A_376, %dma_start3A_377] : memref<16x3x16x2048xf32, #tpu.memory_space<vmem_shared>> -> memref<1x1x16x2048xf32, #tpu.memory_space<vmem_shared>>
    %dma_start3A_379 = tpu.memref_squeeze %dma_start3A_378 : memref<1x1x16x2048xf32, #tpu.memory_space<vmem_shared>> -> memref<16x2048xf32, #tpu.memory_space<vmem_shared>>
    tpu.enqueue_dma source(%dma_start3A_379 : memref<16x2048xf32, #tpu.memory_space<vmem_shared>>) target(%dma_start3A_375 : memref<16x2048xf32, #tpu.memory_space<hbm>>) target_semaphore(%arg10 : memref<!tpu.dma_semaphore, #tpu.memory_space<semaphore_mem>>)
    %dma_wait3A_380 = arith.constant 1 : i32
    %dma_wait3A_381 = arith.constant 0 : i32
    %dma_wait3A_382 = tpu.memref_slice %arg3[%add3A_340, %dma_wait3A_381] : memref<8192x2048xf32, #tpu.memory_space<hbm>> -> memref<16x2048xf32, #tpu.memory_space<hbm>>
    %dma_wait3A_383 = arith.constant 0 : i32
    %dma_wait3A_384 = arith.constant 0 : i32
    %dma_wait3A_385 = tpu.memref_slice %arg4[%arg1, %dma_wait3A_380, %dma_wait3A_383, %dma_wait3A_384] : memref<16x3x16x2048xf32, #tpu.memory_space<vmem_shared>> -> memref<1x1x16x2048xf32, #tpu.memory_space<vmem_shared>>
    %dma_wait3A_386 = tpu.memref_squeeze %dma_wait3A_385 : memref<1x1x16x2048xf32, #tpu.memory_space<vmem_shared>> -> memref<16x2048xf32, #tpu.memory_space<vmem_shared>>
    tpu.wait_dma2 semaphore(%arg9 : memref<!tpu.dma_semaphore, #tpu.memory_space<semaphore_mem>>) src(%dma_wait3A_386 : memref<16x2048xf32, #tpu.memory_space<vmem_shared>>) dst(%dma_wait3A_382 : memref<16x2048xf32, #tpu.memory_space<hbm>>)
    %add3A_387 = arith.constant 208 : i32
    %add3A_388 = arith.addi %mul3A_2, %add3A_387 : i32
    %dma_start3A_389 = arith.constant 1 : i32
    %dma_start3A_390 = arith.constant 0 : i32
    %dma_start3A_391 = arith.constant 0 : i32
    %dma_start3A_392 = tpu.memref_slice %arg4[%arg1, %dma_start3A_389, %dma_start3A_390, %dma_start3A_391] : memref<16x3x16x2048xf32, #tpu.memory_space<vmem_shared>> -> memref<1x1x16x2048xf32, #tpu.memory_space<vmem_shared>>
    %dma_start3A_393 = tpu.memref_squeeze %dma_start3A_392 : memref<1x1x16x2048xf32, #tpu.memory_space<vmem_shared>> -> memref<16x2048xf32, #tpu.memory_space<vmem_shared>>
    %dma_start3A_394 = arith.constant 0 : i32
    %dma_start3A_395 = tpu.memref_slice %arg2[%add3A_388, %dma_start3A_394] : memref<8192x2048xf32, #tpu.memory_space<hbm>> -> memref<16x2048xf32, #tpu.memory_space<hbm>>
    tpu.enqueue_dma source(%dma_start3A_395 : memref<16x2048xf32, #tpu.memory_space<hbm>>) target(%dma_start3A_393 : memref<16x2048xf32, #tpu.memory_space<vmem_shared>>) target_semaphore(%arg6 : memref<!tpu.dma_semaphore, #tpu.memory_space<semaphore_mem>>)
    %dma_wait3A_396 = arith.constant 0 : i32
    %dma_wait3A_397 = arith.constant 0 : i32
    %dma_wait3A_398 = arith.constant 0 : i32
    %dma_wait3A_399 = tpu.memref_slice %arg4[%arg1, %dma_wait3A_396, %dma_wait3A_397, %dma_wait3A_398] : memref<16x3x16x2048xf32, #tpu.memory_space<vmem_shared>> -> memref<1x1x16x2048xf32, #tpu.memory_space<vmem_shared>>
    %dma_wait3A_400 = tpu.memref_squeeze %dma_wait3A_399 : memref<1x1x16x2048xf32, #tpu.memory_space<vmem_shared>> -> memref<16x2048xf32, #tpu.memory_space<vmem_shared>>
    %dma_wait3A_401 = arith.constant 0 : i32
    %dma_wait3A_402 = tpu.memref_slice %arg2[%add3A_356, %dma_wait3A_401] : memref<8192x2048xf32, #tpu.memory_space<hbm>> -> memref<16x2048xf32, #tpu.memory_space<hbm>>
    tpu.wait_dma2 semaphore(%arg5 : memref<!tpu.dma_semaphore, #tpu.memory_space<semaphore_mem>>) src(%dma_wait3A_402 : memref<16x2048xf32, #tpu.memory_space<hbm>>) dst(%dma_wait3A_400 : memref<16x2048xf32, #tpu.memory_space<vmem_shared>>)
    %add3A_403 = arith.constant 192 : i32
    %add3A_404 = arith.addi %mul3A_2, %add3A_403 : i32
    %dma_start3A_405 = arith.constant 0 : i32
    %dma_start3A_406 = arith.constant 0 : i32
    %dma_start3A_407 = tpu.memref_slice %arg3[%add3A_404, %dma_start3A_406] : memref<8192x2048xf32, #tpu.memory_space<hbm>> -> memref<16x2048xf32, #tpu.memory_space<hbm>>
    %dma_start3A_408 = arith.constant 0 : i32
    %dma_start3A_409 = arith.constant 0 : i32
    %dma_start3A_410 = tpu.memref_slice %arg4[%arg1, %dma_start3A_405, %dma_start3A_408, %dma_start3A_409] : memref<16x3x16x2048xf32, #tpu.memory_space<vmem_shared>> -> memref<1x1x16x2048xf32, #tpu.memory_space<vmem_shared>>
    %dma_start3A_411 = tpu.memref_squeeze %dma_start3A_410 : memref<1x1x16x2048xf32, #tpu.memory_space<vmem_shared>> -> memref<16x2048xf32, #tpu.memory_space<vmem_shared>>
    tpu.enqueue_dma source(%dma_start3A_411 : memref<16x2048xf32, #tpu.memory_space<vmem_shared>>) target(%dma_start3A_407 : memref<16x2048xf32, #tpu.memory_space<hbm>>) target_semaphore(%arg8 : memref<!tpu.dma_semaphore, #tpu.memory_space<semaphore_mem>>)
    %dma_wait3A_412 = arith.constant 2 : i32
    %dma_wait3A_413 = arith.constant 0 : i32
    %dma_wait3A_414 = tpu.memref_slice %arg3[%add3A_372, %dma_wait3A_413] : memref<8192x2048xf32, #tpu.memory_space<hbm>> -> memref<16x2048xf32, #tpu.memory_space<hbm>>
    %dma_wait3A_415 = arith.constant 0 : i32
    %dma_wait3A_416 = arith.constant 0 : i32
    %dma_wait3A_417 = tpu.memref_slice %arg4[%arg1, %dma_wait3A_412, %dma_wait3A_415, %dma_wait3A_416] : memref<16x3x16x2048xf32, #tpu.memory_space<vmem_shared>> -> memref<1x1x16x2048xf32, #tpu.memory_space<vmem_shared>>
    %dma_wait3A_418 = tpu.memref_squeeze %dma_wait3A_417 : memref<1x1x16x2048xf32, #tpu.memory_space<vmem_shared>> -> memref<16x2048xf32, #tpu.memory_space<vmem_shared>>
    tpu.wait_dma2 semaphore(%arg10 : memref<!tpu.dma_semaphore, #tpu.memory_space<semaphore_mem>>) src(%dma_wait3A_418 : memref<16x2048xf32, #tpu.memory_space<vmem_shared>>) dst(%dma_wait3A_414 : memref<16x2048xf32, #tpu.memory_space<hbm>>)
    %add3A_419 = arith.constant 224 : i32
    %add3A_420 = arith.addi %mul3A_2, %add3A_419 : i32
    %dma_start3A_421 = arith.constant 2 : i32
    %dma_start3A_422 = arith.constant 0 : i32
    %dma_start3A_423 = arith.constant 0 : i32
    %dma_start3A_424 = tpu.memref_slice %arg4[%arg1, %dma_start3A_421, %dma_start3A_422, %dma_start3A_423] : memref<16x3x16x2048xf32, #tpu.memory_space<vmem_shared>> -> memref<1x1x16x2048xf32, #tpu.memory_space<vmem_shared>>
    %dma_start3A_425 = tpu.memref_squeeze %dma_start3A_424 : memref<1x1x16x2048xf32, #tpu.memory_space<vmem_shared>> -> memref<16x2048xf32, #tpu.memory_space<vmem_shared>>
    %dma_start3A_426 = arith.constant 0 : i32
    %dma_start3A_427 = tpu.memref_slice %arg2[%add3A_420, %dma_start3A_426] : memref<8192x2048xf32, #tpu.memory_space<hbm>> -> memref<16x2048xf32, #tpu.memory_space<hbm>>
    tpu.enqueue_dma source(%dma_start3A_427 : memref<16x2048xf32, #tpu.memory_space<hbm>>) target(%dma_start3A_425 : memref<16x2048xf32, #tpu.memory_space<vmem_shared>>) target_semaphore(%arg7 : memref<!tpu.dma_semaphore, #tpu.memory_space<semaphore_mem>>)
    %dma_wait3A_428 = arith.constant 1 : i32
    %dma_wait3A_429 = arith.constant 0 : i32
    %dma_wait3A_430 = arith.constant 0 : i32
    %dma_wait3A_431 = tpu.memref_slice %arg4[%arg1, %dma_wait3A_428, %dma_wait3A_429, %dma_wait3A_430] : memref<16x3x16x2048xf32, #tpu.memory_space<vmem_shared>> -> memref<1x1x16x2048xf32, #tpu.memory_space<vmem_shared>>
    %dma_wait3A_432 = tpu.memref_squeeze %dma_wait3A_431 : memref<1x1x16x2048xf32, #tpu.memory_space<vmem_shared>> -> memref<16x2048xf32, #tpu.memory_space<vmem_shared>>
    %dma_wait3A_433 = arith.constant 0 : i32
    %dma_wait3A_434 = tpu.memref_slice %arg2[%add3A_388, %dma_wait3A_433] : memref<8192x2048xf32, #tpu.memory_space<hbm>> -> memref<16x2048xf32, #tpu.memory_space<hbm>>
    tpu.wait_dma2 semaphore(%arg6 : memref<!tpu.dma_semaphore, #tpu.memory_space<semaphore_mem>>) src(%dma_wait3A_434 : memref<16x2048xf32, #tpu.memory_space<hbm>>) dst(%dma_wait3A_432 : memref<16x2048xf32, #tpu.memory_space<vmem_shared>>)
    %add3A_435 = arith.constant 208 : i32
    %add3A_436 = arith.addi %mul3A_2, %add3A_435 : i32
    %dma_start3A_437 = arith.constant 1 : i32
    %dma_start3A_438 = arith.constant 0 : i32
    %dma_start3A_439 = tpu.memref_slice %arg3[%add3A_436, %dma_start3A_438] : memref<8192x2048xf32, #tpu.memory_space<hbm>> -> memref<16x2048xf32, #tpu.memory_space<hbm>>
    %dma_start3A_440 = arith.constant 0 : i32
    %dma_start3A_441 = arith.constant 0 : i32
    %dma_start3A_442 = tpu.memref_slice %arg4[%arg1, %dma_start3A_437, %dma_start3A_440, %dma_start3A_441] : memref<16x3x16x2048xf32, #tpu.memory_space<vmem_shared>> -> memref<1x1x16x2048xf32, #tpu.memory_space<vmem_shared>>
    %dma_start3A_443 = tpu.memref_squeeze %dma_start3A_442 : memref<1x1x16x2048xf32, #tpu.memory_space<vmem_shared>> -> memref<16x2048xf32, #tpu.memory_space<vmem_shared>>
    tpu.enqueue_dma source(%dma_start3A_443 : memref<16x2048xf32, #tpu.memory_space<vmem_shared>>) target(%dma_start3A_439 : memref<16x2048xf32, #tpu.memory_space<hbm>>) target_semaphore(%arg9 : memref<!tpu.dma_semaphore, #tpu.memory_space<semaphore_mem>>)
    %dma_wait3A_444 = arith.constant 0 : i32
    %dma_wait3A_445 = arith.constant 0 : i32
    %dma_wait3A_446 = tpu.memref_slice %arg3[%add3A_404, %dma_wait3A_445] : memref<8192x2048xf32, #tpu.memory_space<hbm>> -> memref<16x2048xf32, #tpu.memory_space<hbm>>
    %dma_wait3A_447 = arith.constant 0 : i32
    %dma_wait3A_448 = arith.constant 0 : i32
    %dma_wait3A_449 = tpu.memref_slice %arg4[%arg1, %dma_wait3A_444, %dma_wait3A_447, %dma_wait3A_448] : memref<16x3x16x2048xf32, #tpu.memory_space<vmem_shared>> -> memref<1x1x16x2048xf32, #tpu.memory_space<vmem_shared>>
    %dma_wait3A_450 = tpu.memref_squeeze %dma_wait3A_449 : memref<1x1x16x2048xf32, #tpu.memory_space<vmem_shared>> -> memref<16x2048xf32, #tpu.memory_space<vmem_shared>>
    tpu.wait_dma2 semaphore(%arg8 : memref<!tpu.dma_semaphore, #tpu.memory_space<semaphore_mem>>) src(%dma_wait3A_450 : memref<16x2048xf32, #tpu.memory_space<vmem_shared>>) dst(%dma_wait3A_446 : memref<16x2048xf32, #tpu.memory_space<hbm>>)
    %add3A_451 = arith.constant 240 : i32
    %add3A_452 = arith.addi %mul3A_2, %add3A_451 : i32
    %dma_start3A_453 = arith.constant 0 : i32
    %dma_start3A_454 = arith.constant 0 : i32
    %dma_start3A_455 = arith.constant 0 : i32
    %dma_start3A_456 = tpu.memref_slice %arg4[%arg1, %dma_start3A_453, %dma_start3A_454, %dma_start3A_455] : memref<16x3x16x2048xf32, #tpu.memory_space<vmem_shared>> -> memref<1x1x16x2048xf32, #tpu.memory_space<vmem_shared>>
    %dma_start3A_457 = tpu.memref_squeeze %dma_start3A_456 : memref<1x1x16x2048xf32, #tpu.memory_space<vmem_shared>> -> memref<16x2048xf32, #tpu.memory_space<vmem_shared>>
    %dma_start3A_458 = arith.constant 0 : i32
    %dma_start3A_459 = tpu.memref_slice %arg2[%add3A_452, %dma_start3A_458] : memref<8192x2048xf32, #tpu.memory_space<hbm>> -> memref<16x2048xf32, #tpu.memory_space<hbm>>
    tpu.enqueue_dma source(%dma_start3A_459 : memref<16x2048xf32, #tpu.memory_space<hbm>>) target(%dma_start3A_457 : memref<16x2048xf32, #tpu.memory_space<vmem_shared>>) target_semaphore(%arg5 : memref<!tpu.dma_semaphore, #tpu.memory_space<semaphore_mem>>)
    %dma_wait3A_460 = arith.constant 2 : i32
    %dma_wait3A_461 = arith.constant 0 : i32
    %dma_wait3A_462 = arith.constant 0 : i32
    %dma_wait3A_463 = tpu.memref_slice %arg4[%arg1, %dma_wait3A_460, %dma_wait3A_461, %dma_wait3A_462] : memref<16x3x16x2048xf32, #tpu.memory_space<vmem_shared>> -> memref<1x1x16x2048xf32, #tpu.memory_space<vmem_shared>>
    %dma_wait3A_464 = tpu.memref_squeeze %dma_wait3A_463 : memref<1x1x16x2048xf32, #tpu.memory_space<vmem_shared>> -> memref<16x2048xf32, #tpu.memory_space<vmem_shared>>
    %dma_wait3A_465 = arith.constant 0 : i32
    %dma_wait3A_466 = tpu.memref_slice %arg2[%add3A_420, %dma_wait3A_465] : memref<8192x2048xf32, #tpu.memory_space<hbm>> -> memref<16x2048xf32, #tpu.memory_space<hbm>>
    tpu.wait_dma2 semaphore(%arg7 : memref<!tpu.dma_semaphore, #tpu.memory_space<semaphore_mem>>) src(%dma_wait3A_466 : memref<16x2048xf32, #tpu.memory_space<hbm>>) dst(%dma_wait3A_464 : memref<16x2048xf32, #tpu.memory_space<vmem_shared>>)
    %add3A_467 = arith.constant 224 : i32
    %add3A_468 = arith.addi %mul3A_2, %add3A_467 : i32
    %dma_start3A_469 = arith.constant 2 : i32
    %dma_start3A_470 = arith.constant 0 : i32
    %dma_start3A_471 = tpu.memref_slice %arg3[%add3A_468, %dma_start3A_470] : memref<8192x2048xf32, #tpu.memory_space<hbm>> -> memref<16x2048xf32, #tpu.memory_space<hbm>>
    %dma_start3A_472 = arith.constant 0 : i32
    %dma_start3A_473 = arith.constant 0 : i32
    %dma_start3A_474 = tpu.memref_slice %arg4[%arg1, %dma_start3A_469, %dma_start3A_472, %dma_start3A_473] : memref<16x3x16x2048xf32, #tpu.memory_space<vmem_shared>> -> memref<1x1x16x2048xf32, #tpu.memory_space<vmem_shared>>
    %dma_start3A_475 = tpu.memref_squeeze %dma_start3A_474 : memref<1x1x16x2048xf32, #tpu.memory_space<vmem_shared>> -> memref<16x2048xf32, #tpu.memory_space<vmem_shared>>
    tpu.enqueue_dma source(%dma_start3A_475 : memref<16x2048xf32, #tpu.memory_space<vmem_shared>>) target(%dma_start3A_471 : memref<16x2048xf32, #tpu.memory_space<hbm>>) target_semaphore(%arg10 : memref<!tpu.dma_semaphore, #tpu.memory_space<semaphore_mem>>)
    %dma_wait3A_476 = arith.constant 0 : i32
    %dma_wait3A_477 = arith.constant 0 : i32
    %dma_wait3A_478 = arith.constant 0 : i32
    %dma_wait3A_479 = tpu.memref_slice %arg4[%arg1, %dma_wait3A_476, %dma_wait3A_477, %dma_wait3A_478] : memref<16x3x16x2048xf32, #tpu.memory_space<vmem_shared>> -> memref<1x1x16x2048xf32, #tpu.memory_space<vmem_shared>>
    %dma_wait3A_480 = tpu.memref_squeeze %dma_wait3A_479 : memref<1x1x16x2048xf32, #tpu.memory_space<vmem_shared>> -> memref<16x2048xf32, #tpu.memory_space<vmem_shared>>
    %dma_wait3A_481 = arith.constant 0 : i32
    %dma_wait3A_482 = tpu.memref_slice %arg2[%add3A_452, %dma_wait3A_481] : memref<8192x2048xf32, #tpu.memory_space<hbm>> -> memref<16x2048xf32, #tpu.memory_space<hbm>>
    tpu.wait_dma2 semaphore(%arg5 : memref<!tpu.dma_semaphore, #tpu.memory_space<semaphore_mem>>) src(%dma_wait3A_482 : memref<16x2048xf32, #tpu.memory_space<hbm>>) dst(%dma_wait3A_480 : memref<16x2048xf32, #tpu.memory_space<vmem_shared>>)
    %add3A_483 = arith.constant 240 : i32
    %add3A_484 = arith.addi %mul3A_2, %add3A_483 : i32
    %dma_start3A_485 = arith.constant 0 : i32
    %dma_start3A_486 = arith.constant 0 : i32
    %dma_start3A_487 = tpu.memref_slice %arg3[%add3A_484, %dma_start3A_486] : memref<8192x2048xf32, #tpu.memory_space<hbm>> -> memref<16x2048xf32, #tpu.memory_space<hbm>>
    %dma_start3A_488 = arith.constant 0 : i32
    %dma_start3A_489 = arith.constant 0 : i32
    %dma_start3A_490 = tpu.memref_slice %arg4[%arg1, %dma_start3A_485, %dma_start3A_488, %dma_start3A_489] : memref<16x3x16x2048xf32, #tpu.memory_space<vmem_shared>> -> memref<1x1x16x2048xf32, #tpu.memory_space<vmem_shared>>
    %dma_start3A_491 = tpu.memref_squeeze %dma_start3A_490 : memref<1x1x16x2048xf32, #tpu.memory_space<vmem_shared>> -> memref<16x2048xf32, #tpu.memory_space<vmem_shared>>
    tpu.enqueue_dma source(%dma_start3A_491 : memref<16x2048xf32, #tpu.memory_space<vmem_shared>>) target(%dma_start3A_487 : memref<16x2048xf32, #tpu.memory_space<hbm>>) target_semaphore(%arg8 : memref<!tpu.dma_semaphore, #tpu.memory_space<semaphore_mem>>)
    %dma_wait3A_492 = arith.constant 1 : i32
    %dma_wait3A_493 = arith.constant 0 : i32
    %dma_wait3A_494 = tpu.memref_slice %arg3[%add3A_436, %dma_wait3A_493] : memref<8192x2048xf32, #tpu.memory_space<hbm>> -> memref<16x2048xf32, #tpu.memory_space<hbm>>
    %dma_wait3A_495 = arith.constant 0 : i32
    %dma_wait3A_496 = arith.constant 0 : i32
    %dma_wait3A_497 = tpu.memref_slice %arg4[%arg1, %dma_wait3A_492, %dma_wait3A_495, %dma_wait3A_496] : memref<16x3x16x2048xf32, #tpu.memory_space<vmem_shared>> -> memref<1x1x16x2048xf32, #tpu.memory_space<vmem_shared>>
    %dma_wait3A_498 = tpu.memref_squeeze %dma_wait3A_497 : memref<1x1x16x2048xf32, #tpu.memory_space<vmem_shared>> -> memref<16x2048xf32, #tpu.memory_space<vmem_shared>>
    tpu.wait_dma2 semaphore(%arg9 : memref<!tpu.dma_semaphore, #tpu.memory_space<semaphore_mem>>) src(%dma_wait3A_498 : memref<16x2048xf32, #tpu.memory_space<vmem_shared>>) dst(%dma_wait3A_494 : memref<16x2048xf32, #tpu.memory_space<hbm>>)
    %dma_wait3A_499 = arith.constant 2 : i32
    %dma_wait3A_500 = arith.constant 0 : i32
    %dma_wait3A_501 = tpu.memref_slice %arg3[%add3A_468, %dma_wait3A_500] : memref<8192x2048xf32, #tpu.memory_space<hbm>> -> memref<16x2048xf32, #tpu.memory_space<hbm>>
    %dma_wait3A_502 = arith.constant 0 : i32
    %dma_wait3A_503 = arith.constant 0 : i32
    %dma_wait3A_504 = tpu.memref_slice %arg4[%arg1, %dma_wait3A_499, %dma_wait3A_502, %dma_wait3A_503] : memref<16x3x16x2048xf32, #tpu.memory_space<vmem_shared>> -> memref<1x1x16x2048xf32, #tpu.memory_space<vmem_shared>>
    %dma_wait3A_505 = tpu.memref_squeeze %dma_wait3A_504 : memref<1x1x16x2048xf32, #tpu.memory_space<vmem_shared>> -> memref<16x2048xf32, #tpu.memory_space<vmem_shared>>
    tpu.wait_dma2 semaphore(%arg10 : memref<!tpu.dma_semaphore, #tpu.memory_space<semaphore_mem>>) src(%dma_wait3A_505 : memref<16x2048xf32, #tpu.memory_space<vmem_shared>>) dst(%dma_wait3A_501 : memref<16x2048xf32, #tpu.memory_space<hbm>>)
    %dma_wait3A_506 = arith.constant 0 : i32
    %dma_wait3A_507 = arith.constant 0 : i32
    %dma_wait3A_508 = tpu.memref_slice %arg3[%add3A_484, %dma_wait3A_507] : memref<8192x2048xf32, #tpu.memory_space<hbm>> -> memref<16x2048xf32, #tpu.memory_space<hbm>>
    %dma_wait3A_509 = arith.constant 0 : i32
    %dma_wait3A_510 = arith.constant 0 : i32
    %dma_wait3A_511 = tpu.memref_slice %arg4[%arg1, %dma_wait3A_506, %dma_wait3A_509, %dma_wait3A_510] : memref<16x3x16x2048xf32, #tpu.memory_space<vmem_shared>> -> memref<1x1x16x2048xf32, #tpu.memory_space<vmem_shared>>
    %dma_wait3A_512 = tpu.memref_squeeze %dma_wait3A_511 : memref<1x1x16x2048xf32, #tpu.memory_space<vmem_shared>> -> memref<16x2048xf32, #tpu.memory_space<vmem_shared>>
    tpu.wait_dma2 semaphore(%arg8 : memref<!tpu.dma_semaphore, #tpu.memory_space<semaphore_mem>>) src(%dma_wait3A_512 : memref<16x2048xf32, #tpu.memory_space<vmem_shared>>) dst(%dma_wait3A_508 : memref<16x2048xf32, #tpu.memory_space<hbm>>)
    return
  }
}

</mosaic_0001>

<sc_bundles>
// kernel: kernel.3.cloned.1.call-start
scs
__scs_entry_jumppad:
0x0: {  	(pc) =	sbr.rel $0x88, $3  }
0x1: {  	(tag) =	ssettag $0x0;
	lr =	simm.s32 $0x1  }
0x2: {  	[smem:$0x3FA0] =	sst lr;
	_ =	strace $0xD0000000  }
0x3: {  	_ = 	snop  }
0x4: {  	_ = 	snop  }
0x5: {  	_ = 	snop  }
0x6: {  	_ = 	snop  }
0x7: {  	_ = 	snop  }
__scs_overlays_trampoline_lowered:
0x8: {  	[smem:$0x3FAF] =	sst s0  }
0x9: {  	[smem:$0x3FB0] =	sst s1  }
0xa: {  	[smem:$0x3FB1] =	sst s2  }
0xb: {  	[smem:$0x3FB2] =	sst s3  }
0xc: {  	[smem:$0x3FB3] =	sst s4  }
0xd: {  	[smem:$0x3FB4] =	sst s5  }
0xe: {  	[smem:$0x3FB5] =	sst s6  }
0xf: {  	[smem:$0x3FB6] =	sst s7  }
0x10: {  	[smem:$0x3FB7] =	sst s8  }
0x11: {  	[smem:$0x3FB8] =	sst s9;
	s0 =	simm.s32 @!p0 $0x0  }
0x12: {  	s1 =	sld [smem:$0x3F9E];
	s0 =	simm.s32 @p0 $0x1  }
0x13: {  	[smem:$0x3FB9] =	sst s0;
	s0 =	simm.s32 @!p1 $0x0  }
0x14: {  	s2 =	sld [smem:$0x3F9D];
	s0 =	simm.s32 @p1 $0x1  }
0x15: {  	[smem:$0x3FBA] =	sst s0;
	s0 =	simm.s32 @!p2 $0x0  }
0x16: {  	s3 =	sld [smem:$0x3FDB];
	s0 =	simm.s32 @p2 $0x1  }
0x17: {  	s4 =	simm.s32 $0x1BF5;
	[smem:$0x3FBC] =	sst s0  }
0x18: {  	s0 =	sld [smem:$0x3F9F];
	_ =	swait.ge [sflag:s4], $0x0  }
0x19: {  	s7 =	sld [smem:$0x3FA0]  }
0x1a: {  	s8 =	sadd.s32 $0xFFFFE003, lr  }
0x1b: {  	s9 =	sadd.s32 $0xFFFFFEF7, lr;
	s5 =	simm.s32 $0xFFFFFFFF;
	p2 =	slt.u32 s8, $0xFFFFF086  }
0x1c: {  	p1 =	slt.u32 s9, $0xF7A;
	s5 =	simm.s32 @!p2 $0x0  }
0x1d: {  	s5 =	simm.s32 @p1 $0x1;
	p0 =	seq.s32 s7, s2  }
0x1e: {  	s7 =	smul.u32 @!p0 $0xF7A, s2;
	p2 =	seq.s32 @!p0 s5, $0x0  }
0x1f: {  	s9 =	smul.u32 $0xF7A, s1;
	s8 =	simm.s32 @!p0 $0x1BF5;
	p2 =	por !p2, p0  }
0x20: {  	[sflag:s8] =	ssyncset.s32 @!p0 $0xFFFFF086;
	s6 =	sadd.s32 @!p0 s3, s7;
	s7 =	simm.s32 @!p0 $0x108  }
0x21: {  	s3 =	sadd.s32 s3, s9;
	s6 =	sadd.s32 @!p0 $0x88, s6;
	s7 =	simm.s32 @p2 $0x1082  }
0x22: {  	[simem:s7], [sflag:s8] =	dma.local @!p0 [hbm:s6], $0xF7A  }
0x23: {  	s9 =	sor.u32 $0xD0000000, s2;
	s6 =	simm.s32 $0x108;
	_ =	swait.ge @!p0 [sflag:s8], $0x0  }
0x24: {  	s3 =	sadd.s32 $0x88, s3;
	s6 =	simm.s32 @!p1 $0x1082;
	[sflag:s4] =	ssyncset.s32 $0xFFFFF086  }
0x25: {  	[simem:s6], [sflag:s4] =	dma.local [hbm:s3], $0xF7A  }
0x26: {  	[smem:$0x3FA0] =	sst s1;
	(tag) =	ssettag s2;
	_ =	strace s9  }
0x27: {  	s1 =	sld [smem:$0x3FB0]  }
0x28: {  	s2 =	sld [smem:$0x3FB1]  }
0x29: {  	s4 =	sld [smem:$0x3FB3]  }
0x2a: {  	p0 =	seq.s32 s5, $0x0;
	s5 =	sld [smem:$0x3FB4]  }
0x2b: {  	s6 =	sld [smem:$0x3FB5]  }
0x2c: {  	s7 =	sld [smem:$0x3FB6]  }
0x2d: {  	s3 =	simm.s32 $0x108;
	s8 =	sld [smem:$0x3FB7]  }
0x2e: {  	s3 =	simm.s32 @!p0 $0x1082;
	s9 =	sld [smem:$0x3FB8]  }
0x2f: {  	lr =	sadd.s32 s0, s3;
	s0 =	sld [smem:$0x3FAF]  }
0x30: {  	s3 =	sld [smem:$0x3FB2]  }
0x31: {  	[smem:$0x3FBB] =	sst s10  }
0x32: {  	s10 =	sld [smem:$0x3FB9];
	_ =	sdelay $0x3  }
0x33: {  	p0 =	seq.s32 s10, $0x1;
	s10 =	sld [smem:$0x3FBB];
	_ =	sdelay $0x3  }
0x34: {  	[smem:$0x3FBB] =	sst s10  }
0x35: {  	s10 =	sld [smem:$0x3FBA];
	_ =	sdelay $0x3  }
0x36: {  	p1 =	seq.s32 s10, $0x1;
	s10 =	sld [smem:$0x3FBB];
	_ =	sdelay $0x3  }
0x37: {  	[smem:$0x3FBB] =	sst s10  }
0x38: {  	s10 =	sld [smem:$0x3FBC]  }
0x39: {  	_ = 	snop;
	(pc) =	sbr.ind lr, $3  }
0x3a: {  	_ = 	snop  }
0x3b: {  	_ = 	snop  }
0x3c: {  	p2 =	seq.s32 s10, $0x1;
	s10 =	sld [smem:$0x3FBB]  }
0x3d: {  	_ =	shalt  }
0x3e: {  	_ =	shalt  }
0x3f: {  	_ =	shalt  }
0x40: {  	_ =	shalt  }
0x41: {  	_ =	shalt  }
0x42: {  	_ =	shalt  }
0x43: {  	_ =	shalt  }
0x44: {  	_ =	shalt  }
0x45: {  	_ =	shalt  }
0x46: {  	_ =	shalt  }
0x47: {  	_ =	shalt  }
0x48: {  	_ =	shalt  }
0x49: {  	_ =	shalt  }
0x4a: {  	_ =	shalt  }
0x4b: {  	_ =	shalt  }
0x4c: {  	_ =	shalt  }
0x4d: {  	_ =	shalt  }
0x4e: {  	_ =	shalt  }
0x4f: {  	_ =	shalt  }
0x50: {  	_ =	shalt  }
0x51: {  	_ =	shalt  }
0x52: {  	_ =	shalt  }
0x53: {  	_ =	shalt  }
0x54: {  	_ =	shalt  }
0x55: {  	_ =	shalt  }
0x56: {  	_ =	shalt  }
0x57: {  	_ =	shalt  }
0x58: {  	_ =	shalt  }
0x59: {  	_ =	shalt  }
0x5a: {  	_ =	shalt  }
0x5b: {  	_ =	shalt  }
0x5c: {  	_ =	shalt  }
0x5d: {  	_ =	shalt  }
0x5e: {  	_ =	shalt  }
0x5f: {  	_ =	shalt  }
0x60: {  	_ =	shalt  }
0x61: {  	_ =	shalt  }
0x62: {  	_ =	shalt  }
0x63: {  	_ =	shalt  }
0x64: {  	_ =	shalt  }
0x65: {  	_ =	shalt  }
0x66: {  	_ =	shalt  }
0x67: {  	_ =	shalt  }
0x68: {  	_ =	shalt  }
0x69: {  	_ =	shalt  }
0x6a: {  	_ =	shalt  }
0x6b: {  	_ =	shalt  }
0x6c: {  	_ =	shalt  }
0x6d: {  	_ =	shalt  }
0x6e: {  	_ =	shalt  }
0x6f: {  	_ =	shalt  }
0x70: {  	_ =	shalt  }
0x71: {  	_ =	shalt  }
0x72: {  	_ =	shalt  }
0x73: {  	_ =	shalt  }
0x74: {  	_ =	shalt  }
0x75: {  	_ =	shalt  }
0x76: {  	_ =	shalt  }
0x77: {  	_ =	shalt  }
0x78: {  	_ =	shalt  }
0x79: {  	_ =	shalt  }
0x7a: {  	_ =	shalt  }
0x7b: {  	_ =	shalt  }
0x7c: {  	_ =	shalt  }
0x7d: {  	_ =	shalt  }
0x7e: {  	_ =	shalt  }
0x7f: {  	_ =	shalt  }
0x80: {  	_ =	shalt  }
0x81: {  	_ =	shalt  }
0x82: {  	_ =	shalt  }
0x83: {  	_ =	shalt  }
0x84: {  	_ =	shalt  }
0x85: {  	_ =	shalt  }
0x86: {  	_ =	shalt  }
0x87: {  	_ =	shalt  }
.Lfunc_end0:
.L_simem_size_0:
called_computation_lowered:
.L_overlay_start_0:
0x88: {  	s2 =	sld [smem:$0x3FD9]  }
0x89: {  	s3 =	sld [smem:$0x3FFE];
	_ =	sdelay $0x1  }
0x8a: {  	s1 =	srdreg.scid  }
0x8b: {  	s0 =	sand.u32 $0x1, s1  }
0x8c: {  	s18 =	sshll.u32 s0, $0xA;
	s2 =	sadd.s32 s3, s2  }
0x8d: {  	s2 =	sadd.s32 s2, s18  }
0x8e: {  	[smem:$0x3FC7] =	sst s2  }
0x8f: {  	_ = 	snop  }
0x90: {  	s2 =	sld [smem:$0x3FC9]  }
0x91: {  	s19 =	sld [smem:$0x3FD0];
	(tm) =	ssettm $0x1  }
0x92: {  	s4 =	sld [smem:$0x3FFB];
	_ =	sdelay $0x3  }
0x93: {  	_ =	strace s4  }
0x94: {  	s4 =	sld [smem:$0x3FFC];
	_ =	sdelay $0x3  }
0x95: {  	_ =	strace s4  }
0x96: {  	s4 =	sld [smem:$0x3FFD];
	_ =	sdelay $0x3  }
0x97: {  	_ =	strace s4  }
0x98: {  	_ =	strace $0x8FFFFFFF  }
0x99: {  	s20 =	sld [smem:$0x3FDB];
	_ =	sdelay $0x1  }
0x9a: {  	s5 =	simm.s32 $_scs_section_size  }
0x9b: {  	s6 =	simm.s32 $_size__tile_overlayer_lowered;
	s7 =	simm.s32 $_tile_overlayer_lowered  }
0x9c: {  	s23 =	simm.s32 $0x1BFF;
	s22 =	sshll.u32 s7, $0x1;
	s4 =	sadd.s32 s5, s20  }
0x9d: {  	s8 =	simm.s32 $0x0;
	s21 =	sshll.u32 s6, $0x1;
	s6 =	sadd.s32 s22, s4  }
0x9e: {  	[timem:s8], [sflag:s23] =	dma.local [hbm:s6], s21  }
0x9f: {  	_ =	swait.ge [sflag:s23], s21  }
0xa0: {  	s5 =	ssub.s32 $0x0, s21;
	[sflag:s23] =	ssyncset.done $0x0  }
0xa1: {  	[sflag:s23] =	ssyncadd.s32 s5;
	_ =	sdelay $0x1  }
0xa2: {  	s24 =	simm.s32 $0x1B8B  }
0xa3: {  	_ =	swait.ge [sflag:s24], $0x1  }
0xa4: {  	[sflag:s24] =	ssyncset.done $0x0  }
0xa5: {  	s25 =	simm.s32 $0x1B8E;
	[sflag:s24] =	ssyncadd.s32 $0xFFFFFFFF  }
0xa6: {  	s26 =	simm.s32 $execute0_lowered;
	[smem:$0x3FD2] =	sst s25  }
0xa7: {  	s5 =	sshll.u32 s26, $0x1;
	_ =	strace $0x80000046;
	[dreg:$0x1] =	wrdreg $0xFFFFFFFF  }
0xa8: {  	s28 =	simm.s32 $_size_execute0_lowered;
	s4 =	sadd.s32 s4, s5;
	[dreg:$0x0] =	wrdreg $0x0  }
0xa9: {  	s5 =	sshll.u32 s28, $0x1;
	[dreg:$0x2] =	wrdreg s4  }
0xaa: {  	[dreg:$0x3] =	wrdreg s5  }
0xab: {  	[dreg:$0x4] =	wrdreg $0xC0  }
0xac: {  	_ =	task [dreg:s8], $0x5FFFF  }
0xad: {  	[dreg:$0x1] =	wrdreg $0xFFFFFFFF  }
0xae: {  	[dreg:$0x0] =	wrdreg $0x60  }
0xaf: {  	[dreg:$0x2] =	wrdreg s2  }
0xb0: {  	[dreg:$0x3] =	wrdreg s19  }
0xb1: {  	[dreg:$0x4] =	wrdreg $0x0  }
0xb2: {  	[dreg:$0x5] =	wrdreg $0x9  }
0xb3: {  	_ =	task.clear_ibuf [dreg:s8], $0x6FFFF;
	_ =	strace $0x90000046  }
0xb4: {  	s29 =	simm.s32 $0x9;
	_ =	strace $0x80000048  }
0xb5: {  	_ =	swait.ge [sflag:s29], $0x1  }
0xb6: {  	[sflag:s29] =	ssyncadd.s32 $0xFFFFFFFF  }
0xb7: {  	_ =	strace $0x90000048  }
0xb8: {  	_ =	sfence  }
0xb9: {  	s30 =	sld [smem:$0x0];
	_ =	sdelay $0x2  }
0xba: {  	s31 =	sshll.u32 s1, $0xD;
	s1 =	sshrl.u32 s1, $0x2  }
0xbb: {  	s3 =	sand.u32 $0x4000, s31;
	s1 =	sadd.s32 s1, s30  }
0xbc: {  	s0 =	sor.u32 s3, s0;
	s1 =	sshll.u32 s1, $0x11  }
0xbd: {  	s0 =	sor.u32 s1, s0  }
0xbe: {  	s0 =	sadd.s32 $0x8F2B, s0  }
0xbf: {  	[sflag:s0] =	ssyncadd.remote.s32 $0x1  }
0xc0: {  	_ =	sfence.sel $0xFFFF  }
0xc1: {  	[dreg:$0x0] =	wrdreg $0xFFFFFFFF;
	(pc) =	sbr.abs _section_cstart, $3  }
0xc2: {  	[dreg:$0x1] =	wrdreg $0xFFFFFFFF  }
0xc3: {  	_ =	task.clear_ibuf [dreg:s8], $0x2FFFF;
	_ =	strace $0x9FFFFFFF  }
0xc4: {  	(tm) =	ssettm $0x7FFFFFFF  }
0xc5: {  	_ =	shalt  }
tec
execute0_lowered:
.L_overlay_start_1:
0x0: {  	(tag) =	ssettag $0x1  }
0x1: {  	s3 =	rddreg [dreg:$0x0]  }
0x2: {  	s0 =	rddreg [dreg:$0x1]  }
0x3: {  	s1 =	rddreg [dreg:$0x2]  }
0x4: {  	s30 =	rddreg [dreg:$0x3];
	s2 =	srdreg.scid  }
0x5: {  	s4 =	simm.s32 $0x0;
	s31 =	stileid.u32;
	p0 =	por $0x0, $0x0  }
0x6: {  	s2 =	sand.u32 $0x1, s2;
	[smem:$0x7FF] =	sst s4;
	s7 =	sshll.u32 s31, $0x11  }
0x7: {  	s13 =	smul.u32 $0x60000, s31;
	s25 =	sshll.u32 s31, $0x6;
	s5 =	sshll.u32 s2, $0x10  }
0x8: {  	_ =	strace $0x80000047;
	s2 =	ssub.s32 $0x2, s2;
	s4 =	sor.u32 s5, s7  }
0x9: {  	s6 =	sshrl.u32 s2, $0x1;
	s5 =	sadd.s32 s3, s4;
	s7 =	sor.u32 $0x1000, s4  }
0xa: {  	s9 =	sadd.s32 s0, s4;
	s6 =	ssub.s32 s2, s6;
	[dreg:$0x4] =	wrdreg s5  }
0xb: {  	s12 =	sor.u32 $0x3000, s4;
	s8 =	sadd.s32 s3, s7;
	[dreg:$0x6] =	wrdreg s9  }
0xc: {  	s16 =	sor.u32 $0x4000, s4;
	s11 =	sadd.s32 s0, s7;
	[dreg:$0x5] =	wrdreg s8  }
0xd: {  	s19 =	sor.u32 $0x5000, s4;
	s14 =	sadd.s32 s3, s12;
	[dreg:$0x8] =	wrdreg s11  }
0xe: {  	s22 =	sor.u32 $0x6000, s4;
	s17 =	sadd.s32 s3, s16;
	[dreg:$0x9] =	wrdreg s14  }
0xf: {  	s24 =	sor.u32 $0x7000, s4;
	s18 =	sadd.s32 s0, s12;
	[dreg:$0xb] =	wrdreg s17  }
0x10: {  	s2 =	sor.u32 $0x1C01, s25;
	s20 =	sadd.s32 s3, s19;
	[dreg:$0xc] =	wrdreg s18  }
0x11: {  	s29 =	sor.u32 $0x8000, s4;
	s21 =	sadd.s32 s0, s16;
	[dreg:$0xd] =	wrdreg s20  }
0x12: {  	s7 =	sshrl.u32 s13, $0x2;
	s23 =	sadd.s32 s3, s22;
	[dreg:$0xe] =	wrdreg s21  }
0x13: {  	s5 =	sadd.s32 s0, s19;
	s26 =	sadd.s32 s3, s24;
	[dreg:$0xf] =	wrdreg s23  }
0x14: {  	s28 =	sadd.s32 s0, s22;
	s12 =	sadd.s32 s0, s24;
	[dreg:$0x10] =	wrdreg s5  }
0x15: {  	s13 =	sor.u32 $0x9000, s4;
	s16 =	sor.u32 $0xA000, s4;
	[dreg:$0x11] =	wrdreg s26  }
0x16: {  	s8 =	sor.u32 $0x2000, s4;
	s1 =	sadd.s32 s7, s1;
	[dreg:$0x12] =	wrdreg s28  }
0x17: {  	s11 =	sadd.s32 s3, s29;
	[dreg:$0x14] =	wrdreg s12;
	s14 =	sadd.s32 s3, s13  }
0x18: {  	s24 =	sadd.s32 s3, s16;
	s17 =	sor.u32 $0xB000, s4;
	s23 =	sadd.s32 s0, s13  }
0x19: {  	s18 =	sor.u32 $0xC000, s4;
	s21 =	sadd.s32 s0, s16;
	s26 =	sor.u32 $0xD000, s4  }
0x1a: {  	s28 =	sor.u32 $0xE000, s4;
	s4 =	sor.u32 $0xF000, s4;
	s13 =	simm.s32 $0x3  }
0x1b: {  	s7 =	simm.s32 $0x5;
	s10 =	sadd.s32 s3, s8;
	[dreg:$0x13] =	wrdreg s11  }
0x1c: {  	s15 =	sadd.s32 s0, s8;
	s9 =	sadd.s32 $0x8000, s1;
	[dreg:$0x15] =	wrdreg s14  }
0x1d: {  	s22 =	sadd.s32 s3, s17;
	s20 =	sadd.s32 s3, s18;
	s19 =	sadd.s32 s0, s17  }
0x1e: {  	s17 =	sadd.s32 s3, s26;
	s12 =	sadd.s32 s3, s28;
	s11 =	sadd.s32 s0, s26  }
0x1f: {  	[dreg:$0xa] =	wrdreg s15;
	s15 =	sadd.s32 s0, s29;
	s29 =	smax.u32 s6, $0x1  }
0x20: {  	s8 =	sadd.s32 s3, s4;
	s5 =	sadd.s32 s0, s28;
	p1 =	sne.s32 s29, $0x1  }
.Ltmp0:
0x21: {  	s4 =	sadd.s32 s0, s4;
	s3 =	simm.s32 $0x4;
	(pc) =	sbr.rel @!p1 .LBB2_5-.Ltmp0, $4  }
0x22: {  	s14 =	sshrl.u32 s1, $0x3;
	[dreg:$0x7] =	wrdreg s10;
	s10 =	sadd.s32 $0x10000, s1  }
0x23: {  	s16 =	sshrl.u32 s9, $0x3;
	s6 =	simm.s32 $0x1;
	s1 =	rddreg [dreg:$0x4]  }
0x24: {  	s9 =	simm.s32 $0x6;
	[dreg:$0x16] =	wrdreg s15;
	s15 =	sadd.s32 s0, s18  }
0x25: {  	s10 =	sshrl.u32 s10, $0x3;
	s18 =	simm.s32 $0x2;
	s0 =	sadd.s32 $0xFFFFFFFF, s29  }
0x26: {  	[spmem:s14], [sflag:s2] =	dma.local [hbm:s1], $0x1000  }
0x27: {  	s26 =	sor.u32 $0x1C02, s25;
	s1 =	rddreg [dreg:$0x5]  }
0x28: {  	[spmem:s16], [sflag:s26] =	dma.local [hbm:s1], $0x1000  }
0x29: {  	_ =	swait.ge [sflag:s6], $0x1000  }
0x2a: {  	[sflag:s6] =	ssyncset.done $0x0  }
0x2b: {  	s28 =	sor.u32 $0x1C04, s25;
	s1 =	rddreg [dreg:$0x6];
	[sflag:s6] =	ssyncadd.s32 $0xFFFFF000  }
0x2c: {  	[hbm:s1], [sflag:s28] =	dma.local [spmem:s14], $0x1000  }
0x2d: {  	s29 =	sor.u32 $0x1C03, s25;
	s1 =	rddreg [dreg:$0x7]  }
0x2e: {  	[spmem:s10], [sflag:s29] =	dma.local [hbm:s1], $0x1000  }
0x2f: {  	_ =	swait.ge [sflag:s18], $0x1000  }
0x30: {  	[sflag:s18] =	ssyncset.done $0x0  }
0x31: {  	s30 =	sor.u32 $0x1C05, s25;
	s1 =	rddreg [dreg:$0x8];
	[sflag:s18] =	ssyncadd.s32 $0xFFFFF000  }
0x32: {  	[hbm:s1], [sflag:s30] =	dma.local [spmem:s16], $0x1000  }
0x33: {  	_ =	swait.ge [sflag:s3], $0x1000  }
0x34: {  	[sflag:s3] =	ssyncset.done $0x0  }
0x35: {  	s1 =	rddreg [dreg:$0x9];
	[sflag:s3] =	ssyncadd.s32 $0xFFFFF000  }
0x36: {  	[spmem:s14], [sflag:s2] =	dma.local [hbm:s1], $0x1000  }
0x37: {  	_ =	swait.ge [sflag:s13], $0x1000  }
0x38: {  	[sflag:s13] =	ssyncset.done $0x0  }
0x39: {  	s31 =	sor.u32 $0x1C06, s25;
	s1 =	rddreg [dreg:$0xa];
	[sflag:s13] =	ssyncadd.s32 $0xFFFFF000  }
0x3a: {  	[hbm:s1], [sflag:s31] =	dma.local [spmem:s10], $0x1000  }
0x3b: {  	_ =	swait.ge [sflag:s7], $0x1000  }
0x3c: {  	[sflag:s7] =	ssyncset.done $0x0  }
0x3d: {  	s1 =	rddreg [dreg:$0xb];
	[sflag:s7] =	ssyncadd.s32 $0xFFFFF000  }
0x3e: {  	[spmem:s16], [sflag:s26] =	dma.local [hbm:s1], $0x1000  }
0x3f: {  	_ =	swait.ge [sflag:s6], $0x1000  }
0x40: {  	[sflag:s6] =	ssyncset.done $0x0  }
0x41: {  	s1 =	rddreg [dreg:$0xc];
	[sflag:s6] =	ssyncadd.s32 $0xFFFFF000  }
0x42: {  	[hbm:s1], [sflag:s28] =	dma.local [spmem:s14], $0x1000  }
0x43: {  	_ =	swait.ge [sflag:s9], $0x1000  }
0x44: {  	[sflag:s9] =	ssyncset.done $0x0  }
0x45: {  	s1 =	rddreg [dreg:$0xd];
	[sflag:s9] =	ssyncadd.s32 $0xFFFFF000  }
0x46: {  	[spmem:s10], [sflag:s29] =	dma.local [hbm:s1], $0x1000  }
0x47: {  	_ =	swait.ge [sflag:s18], $0x1000  }
0x48: {  	[sflag:s18] =	ssyncset.done $0x0  }
0x49: {  	s1 =	rddreg [dreg:$0xe];
	[sflag:s18] =	ssyncadd.s32 $0xFFFFF000  }
0x4a: {  	[hbm:s1], [sflag:s30] =	dma.local [spmem:s16], $0x1000  }
0x4b: {  	_ =	swait.ge [sflag:s3], $0x1000  }
0x4c: {  	[sflag:s3] =	ssyncset.done $0x0  }
0x4d: {  	s1 =	rddreg [dreg:$0xf];
	[sflag:s3] =	ssyncadd.s32 $0xFFFFF000  }
0x4e: {  	[spmem:s14], [sflag:s2] =	dma.local [hbm:s1], $0x1000  }
0x4f: {  	_ =	swait.ge [sflag:s13], $0x1000  }
0x50: {  	[sflag:s13] =	ssyncset.done $0x0  }
0x51: {  	s1 =	rddreg [dreg:$0x10];
	[sflag:s13] =	ssyncadd.s32 $0xFFFFF000  }
0x52: {  	[hbm:s1], [sflag:s31] =	dma.local [spmem:s10], $0x1000  }
0x53: {  	_ =	swait.ge [sflag:s7], $0x1000  }
0x54: {  	[sflag:s7] =	ssyncset.done $0x0  }
0x55: {  	s1 =	rddreg [dreg:$0x11];
	[sflag:s7] =	ssyncadd.s32 $0xFFFFF000  }
0x56: {  	[spmem:s16], [sflag:s26] =	dma.local [hbm:s1], $0x1000  }
0x57: {  	_ =	swait.ge [sflag:s6], $0x1000  }
0x58: {  	[sflag:s6] =	ssyncset.done $0x0  }
0x59: {  	s1 =	rddreg [dreg:$0x12];
	[sflag:s6] =	ssyncadd.s32 $0xFFFFF000  }
0x5a: {  	[hbm:s1], [sflag:s28] =	dma.local [spmem:s14], $0x1000  }
0x5b: {  	_ =	swait.ge [sflag:s9], $0x1000  }
0x5c: {  	[sflag:s9] =	ssyncset.done $0x0  }
0x5d: {  	s1 =	rddreg [dreg:$0x13];
	[sflag:s9] =	ssyncadd.s32 $0xFFFFF000  }
0x5e: {  	[spmem:s10], [sflag:s29] =	dma.local [hbm:s1], $0x1000  }
0x5f: {  	_ =	swait.ge [sflag:s18], $0x1000  }
0x60: {  	[sflag:s18] =	ssyncset.done $0x0  }
0x61: {  	s1 =	rddreg [dreg:$0x14];
	[sflag:s18] =	ssyncadd.s32 $0xFFFFF000  }
0x62: {  	[hbm:s1], [sflag:s30] =	dma.local [spmem:s16], $0x1000  }
0x63: {  	_ =	swait.ge [sflag:s3], $0x1000  }
0x64: {  	[sflag:s3] =	ssyncset.done $0x0  }
0x65: {  	s1 =	rddreg [dreg:$0x15];
	[sflag:s3] =	ssyncadd.s32 $0xFFFFF000  }
0x66: {  	[spmem:s14], [sflag:s2] =	dma.local [hbm:s1], $0x1000  }
0x67: {  	_ =	swait.ge [sflag:s13], $0x1000  }
0x68: {  	[sflag:s13] =	ssyncset.done $0x0  }
0x69: {  	s1 =	rddreg [dreg:$0x16];
	[sflag:s13] =	ssyncadd.s32 $0xFFFFF000  }
0x6a: {  	[hbm:s1], [sflag:s31] =	dma.local [spmem:s10], $0x1000  }
0x6b: {  	_ =	swait.ge [sflag:s7], $0x1000  }
0x6c: {  	[sflag:s7] =	ssyncset.done $0x0  }
0x6d: {  	[sflag:s7] =	ssyncadd.s32 $0xFFFFF000  }
0x6e: {  	[spmem:s16], [sflag:s26] =	dma.local [hbm:s24], $0x1000  }
0x6f: {  	_ =	swait.ge [sflag:s6], $0x1000  }
0x70: {  	[sflag:s6] =	ssyncset.done $0x0  }
0x71: {  	[sflag:s6] =	ssyncadd.s32 $0xFFFFF000  }
0x72: {  	[hbm:s23], [sflag:s28] =	dma.local [spmem:s14], $0x1000  }
0x73: {  	_ =	swait.ge [sflag:s9], $0x1000  }
0x74: {  	[sflag:s9] =	ssyncset.done $0x0  }
0x75: {  	[sflag:s9] =	ssyncadd.s32 $0xFFFFF000  }
0x76: {  	[spmem:s10], [sflag:s29] =	dma.local [hbm:s22], $0x1000  }
0x77: {  	_ =	swait.ge [sflag:s18], $0x1000  }
0x78: {  	[sflag:s18] =	ssyncset.done $0x0  }
0x79: {  	[sflag:s18] =	ssyncadd.s32 $0xFFFFF000  }
0x7a: {  	[hbm:s21], [sflag:s30] =	dma.local [spmem:s16], $0x1000  }
0x7b: {  	_ =	swait.ge [sflag:s3], $0x1000  }
0x7c: {  	[sflag:s3] =	ssyncset.done $0x0  }
0x7d: {  	[sflag:s3] =	ssyncadd.s32 $0xFFFFF000  }
0x7e: {  	[spmem:s14], [sflag:s2] =	dma.local [hbm:s20], $0x1000  }
0x7f: {  	_ =	swait.ge [sflag:s13], $0x1000  }
0x80: {  	[sflag:s13] =	ssyncset.done $0x0  }
0x81: {  	[sflag:s13] =	ssyncadd.s32 $0xFFFFF000  }
0x82: {  	[hbm:s19], [sflag:s31] =	dma.local [spmem:s10], $0x1000  }
0x83: {  	_ =	swait.ge [sflag:s7], $0x1000  }
0x84: {  	[sflag:s7] =	ssyncset.done $0x0  }
0x85: {  	[sflag:s7] =	ssyncadd.s32 $0xFFFFF000  }
0x86: {  	[spmem:s16], [sflag:s26] =	dma.local [hbm:s17], $0x1000  }
0x87: {  	_ =	swait.ge [sflag:s6], $0x1000  }
0x88: {  	[sflag:s6] =	ssyncset.done $0x0  }
0x89: {  	[sflag:s6] =	ssyncadd.s32 $0xFFFFF000  }
0x8a: {  	[hbm:s15], [sflag:s28] =	dma.local [spmem:s14], $0x1000  }
0x8b: {  	_ =	swait.ge [sflag:s9], $0x1000  }
0x8c: {  	[sflag:s9] =	ssyncset.done $0x0  }
0x8d: {  	[sflag:s9] =	ssyncadd.s32 $0xFFFFF000  }
0x8e: {  	[spmem:s10], [sflag:s29] =	dma.local [hbm:s12], $0x1000  }
0x8f: {  	_ =	swait.ge [sflag:s18], $0x1000  }
0x90: {  	[sflag:s18] =	ssyncset.done $0x0  }
0x91: {  	[sflag:s18] =	ssyncadd.s32 $0xFFFFF000  }
0x92: {  	[hbm:s11], [sflag:s30] =	dma.local [spmem:s16], $0x1000  }
0x93: {  	_ =	swait.ge [sflag:s3], $0x1000  }
0x94: {  	[sflag:s3] =	ssyncset.done $0x0  }
0x95: {  	[sflag:s3] =	ssyncadd.s32 $0xFFFFF000  }
0x96: {  	[spmem:s14], [sflag:s2] =	dma.local [hbm:s8], $0x1000  }
0x97: {  	_ =	swait.ge [sflag:s13], $0x1000  }
0x98: {  	[sflag:s13] =	ssyncset.done $0x0  }
0x99: {  	[sflag:s13] =	ssyncadd.s32 $0xFFFFF000  }
0x9a: {  	[hbm:s5], [sflag:s31] =	dma.local [spmem:s10], $0x1000  }
0x9b: {  	_ =	swait.ge [sflag:s6], $0x1000  }
0x9c: {  	[sflag:s6] =	ssyncset.done $0x0  }
0x9d: {  	[sflag:s6] =	ssyncadd.s32 $0xFFFFF000  }
0x9e: {  	[hbm:s4], [sflag:s28] =	dma.local [spmem:s14], $0x1000  }
0x9f: {  	_ =	swait.ge [sflag:s7], $0x1000  }
0xa0: {  	[sflag:s7] =	ssyncset.done $0x0  }
0xa1: {  	p1 =	sne.s32 s0, $0x1;
	[sflag:s7] =	ssyncadd.s32 $0xFFFFF000  }
.Ltmp1:
0xa2: {  	_ =	swait.ge [sflag:s9], $0x1000;
	(pc) =	sbr.rel @!p1 .LBB2_2-.Ltmp1, $4  }
0xa3: {  	[sflag:s9] =	ssyncset.done $0x0  }
0xa4: {  	[sflag:s9] =	ssyncadd.s32 $0xFFFFF000  }
0xa5: {  	s0 =	sadd.s32 $0xFFFFFFFF, s0;
	_ =	swait.ge [sflag:s3], $0x1000  }
0xa6: {  	p0 =	por $0x1, $0x1;
	s1 =	rddreg [dreg:$0x4];
	[sflag:s3] =	ssyncset.done $0x0  }
.LBB2_3:
0xa7: {  	[sflag:s3] =	ssyncadd.s32 $0xFFFFF000  }
0xa8: {  	[spmem:s14], [sflag:s2] =	dma.local [hbm:s1], $0x1000  }
0xa9: {  	s1 =	rddreg [dreg:$0x5]  }
0xaa: {  	[spmem:s16], [sflag:s26] =	dma.local [hbm:s1], $0x1000  }
0xab: {  	_ =	swait.ge [sflag:s6], $0x1000  }
0xac: {  	[sflag:s6] =	ssyncset.done $0x0  }
0xad: {  	s1 =	rddreg [dreg:$0x6];
	[sflag:s6] =	ssyncadd.s32 $0xFFFFF000  }
0xae: {  	[hbm:s1], [sflag:s28] =	dma.local [spmem:s14], $0x1000  }
0xaf: {  	s1 =	rddreg [dreg:$0x7]  }
0xb0: {  	[spmem:s10], [sflag:s29] =	dma.local [hbm:s1], $0x1000  }
0xb1: {  	_ =	swait.ge [sflag:s18], $0x1000  }
0xb2: {  	[sflag:s18] =	ssyncset.done $0x0  }
0xb3: {  	s1 =	rddreg [dreg:$0x8];
	[sflag:s18] =	ssyncadd.s32 $0xFFFFF000  }
0xb4: {  	[hbm:s1], [sflag:s30] =	dma.local [spmem:s16], $0x1000  }
0xb5: {  	_ =	swait.ge [sflag:s3], $0x1000  }
0xb6: {  	[sflag:s3] =	ssyncset.done $0x0  }
0xb7: {  	s1 =	rddreg [dreg:$0x9];
	[sflag:s3] =	ssyncadd.s32 $0xFFFFF000  }
0xb8: {  	[spmem:s14], [sflag:s2] =	dma.local [hbm:s1], $0x1000  }
0xb9: {  	_ =	swait.ge [sflag:s13], $0x1000  }
0xba: {  	[sflag:s13] =	ssyncset.done $0x0  }
0xbb: {  	s1 =	rddreg [dreg:$0xa];
	[sflag:s13] =	ssyncadd.s32 $0xFFFFF000  }
0xbc: {  	[hbm:s1], [sflag:s31] =	dma.local [spmem:s10], $0x1000  }
0xbd: {  	_ =	swait.ge [sflag:s7], $0x1000  }
0xbe: {  	[sflag:s7] =	ssyncset.done $0x0  }
0xbf: {  	s1 =	rddreg [dreg:$0xb];
	[sflag:s7] =	ssyncadd.s32 $0xFFFFF000  }
0xc0: {  	[spmem:s16], [sflag:s26] =	dma.local [hbm:s1], $0x1000  }
0xc1: {  	_ =	swait.ge [sflag:s6], $0x1000  }
0xc2: {  	[sflag:s6] =	ssyncset.done $0x0  }
0xc3: {  	s1 =	rddreg [dreg:$0xc];
	[sflag:s6] =	ssyncadd.s32 $0xFFFFF000  }
0xc4: {  	[hbm:s1], [sflag:s28] =	dma.local [spmem:s14], $0x1000  }
0xc5: {  	_ =	swait.ge [sflag:s9], $0x1000  }
0xc6: {  	[sflag:s9] =	ssyncset.done $0x0  }
0xc7: {  	s1 =	rddreg [dreg:$0xd];
	[sflag:s9] =	ssyncadd.s32 $0xFFFFF000  }
0xc8: {  	[spmem:s10], [sflag:s29] =	dma.local [hbm:s1], $0x1000  }
0xc9: {  	_ =	swait.ge [sflag:s18], $0x1000  }
0xca: {  	[sflag:s18] =	ssyncset.done $0x0  }
0xcb: {  	s1 =	rddreg [dreg:$0xe];
	[sflag:s18] =	ssyncadd.s32 $0xFFFFF000  }
0xcc: {  	[hbm:s1], [sflag:s30] =	dma.local [spmem:s16], $0x1000  }
0xcd: {  	_ =	swait.ge [sflag:s3], $0x1000  }
0xce: {  	[sflag:s3] =	ssyncset.done $0x0  }
0xcf: {  	s1 =	rddreg [dreg:$0xf];
	[sflag:s3] =	ssyncadd.s32 $0xFFFFF000  }
0xd0: {  	[spmem:s14], [sflag:s2] =	dma.local [hbm:s1], $0x1000  }
0xd1: {  	_ =	swait.ge [sflag:s13], $0x1000  }
0xd2: {  	[sflag:s13] =	ssyncset.done $0x0  }
0xd3: {  	s1 =	rddreg [dreg:$0x10];
	[sflag:s13] =	ssyncadd.s32 $0xFFFFF000  }
0xd4: {  	[hbm:s1], [sflag:s31] =	dma.local [spmem:s10], $0x1000  }
0xd5: {  	_ =	swait.ge [sflag:s7], $0x1000  }
0xd6: {  	[sflag:s7] =	ssyncset.done $0x0  }
0xd7: {  	s1 =	rddreg [dreg:$0x11];
	[sflag:s7] =	ssyncadd.s32 $0xFFFFF000  }
0xd8: {  	[spmem:s16], [sflag:s26] =	dma.local [hbm:s1], $0x1000  }
0xd9: {  	_ =	swait.ge [sflag:s6], $0x1000  }
0xda: {  	[sflag:s6] =	ssyncset.done $0x0  }
0xdb: {  	s1 =	rddreg [dreg:$0x12];
	[sflag:s6] =	ssyncadd.s32 $0xFFFFF000  }
0xdc: {  	[hbm:s1], [sflag:s28] =	dma.local [spmem:s14], $0x1000  }
0xdd: {  	_ =	swait.ge [sflag:s9], $0x1000  }
0xde: {  	[sflag:s9] =	ssyncset.done $0x0  }
0xdf: {  	s1 =	rddreg [dreg:$0x13];
	[sflag:s9] =	ssyncadd.s32 $0xFFFFF000  }
0xe0: {  	[spmem:s10], [sflag:s29] =	dma.local [hbm:s1], $0x1000  }
0xe1: {  	_ =	swait.ge [sflag:s18], $0x1000  }
0xe2: {  	[sflag:s18] =	ssyncset.done $0x0  }
0xe3: {  	s1 =	rddreg [dreg:$0x14];
	[sflag:s18] =	ssyncadd.s32 $0xFFFFF000  }
0xe4: {  	[hbm:s1], [sflag:s30] =	dma.local [spmem:s16], $0x1000  }
0xe5: {  	_ =	swait.ge [sflag:s3], $0x1000  }
0xe6: {  	[sflag:s3] =	ssyncset.done $0x0  }
0xe7: {  	s1 =	rddreg [dreg:$0x15];
	[sflag:s3] =	ssyncadd.s32 $0xFFFFF000  }
0xe8: {  	[spmem:s14], [sflag:s2] =	dma.local [hbm:s1], $0x1000  }
0xe9: {  	_ =	swait.ge [sflag:s13], $0x1000  }
0xea: {  	[sflag:s13] =	ssyncset.done $0x0  }
0xeb: {  	s1 =	rddreg [dreg:$0x16];
	[sflag:s13] =	ssyncadd.s32 $0xFFFFF000  }
0xec: {  	[hbm:s1], [sflag:s31] =	dma.local [spmem:s10], $0x1000  }
0xed: {  	_ =	swait.ge [sflag:s7], $0x1000  }
0xee: {  	[sflag:s7] =	ssyncset.done $0x0  }
0xef: {  	[sflag:s7] =	ssyncadd.s32 $0xFFFFF000  }
0xf0: {  	[spmem:s16], [sflag:s26] =	dma.local [hbm:s24], $0x1000  }
0xf1: {  	_ =	swait.ge [sflag:s6], $0x1000  }
0xf2: {  	[sflag:s6] =	ssyncset.done $0x0  }
0xf3: {  	[sflag:s6] =	ssyncadd.s32 $0xFFFFF000  }
0xf4: {  	[hbm:s23], [sflag:s28] =	dma.local [spmem:s14], $0x1000  }
0xf5: {  	_ =	swait.ge [sflag:s9], $0x1000  }
0xf6: {  	[sflag:s9] =	ssyncset.done $0x0  }
0xf7: {  	[sflag:s9] =	ssyncadd.s32 $0xFFFFF000  }
0xf8: {  	[spmem:s10], [sflag:s29] =	dma.local [hbm:s22], $0x1000  }
0xf9: {  	_ =	swait.ge [sflag:s18], $0x1000  }
0xfa: {  	[sflag:s18] =	ssyncset.done $0x0  }
0xfb: {  	[sflag:s18] =	ssyncadd.s32 $0xFFFFF000  }
0xfc: {  	[hbm:s21], [sflag:s30] =	dma.local [spmem:s16], $0x1000  }
0xfd: {  	_ =	swait.ge [sflag:s3], $0x1000  }
0xfe: {  	[sflag:s3] =	ssyncset.done $0x0  }
0xff: {  	[sflag:s3] =	ssyncadd.s32 $0xFFFFF000  }
0x100: {  	[spmem:s14], [sflag:s2] =	dma.local [hbm:s20], $0x1000  }
0x101: {  	_ =	swait.ge [sflag:s13], $0x1000  }
0x102: {  	[sflag:s13] =	ssyncset.done $0x0  }
0x103: {  	[sflag:s13] =	ssyncadd.s32 $0xFFFFF000  }
0x104: {  	[hbm:s19], [sflag:s31] =	dma.local [spmem:s10], $0x1000  }
0x105: {  	_ =	swait.ge [sflag:s7], $0x1000  }
0x106: {  	[sflag:s7] =	ssyncset.done $0x0  }
0x107: {  	[sflag:s7] =	ssyncadd.s32 $0xFFFFF000  }
0x108: {  	[spmem:s16], [sflag:s26] =	dma.local [hbm:s17], $0x1000  }
0x109: {  	_ =	swait.ge [sflag:s6], $0x1000  }
0x10a: {  	[sflag:s6] =	ssyncset.done $0x0  }
0x10b: {  	[sflag:s6] =	ssyncadd.s32 $0xFFFFF000  }
0x10c: {  	[hbm:s15], [sflag:s28] =	dma.local [spmem:s14], $0x1000  }
0x10d: {  	_ =	swait.ge [sflag:s9], $0x1000  }
0x10e: {  	[sflag:s9] =	ssyncset.done $0x0  }
0x10f: {  	[sflag:s9] =	ssyncadd.s32 $0xFFFFF000  }
0x110: {  	[spmem:s10], [sflag:s29] =	dma.local [hbm:s12], $0x1000  }
0x111: {  	_ =	swait.ge [sflag:s18], $0x1000  }
0x112: {  	[sflag:s18] =	ssyncset.done $0x0  }
0x113: {  	[sflag:s18] =	ssyncadd.s32 $0xFFFFF000  }
0x114: {  	[hbm:s11], [sflag:s30] =	dma.local [spmem:s16], $0x1000  }
0x115: {  	_ =	swait.ge [sflag:s3], $0x1000  }
0x116: {  	[sflag:s3] =	ssyncset.done $0x0  }
0x117: {  	[sflag:s3] =	ssyncadd.s32 $0xFFFFF000  }
0x118: {  	[spmem:s14], [sflag:s2] =	dma.local [hbm:s8], $0x1000  }
0x119: {  	_ =	swait.ge [sflag:s13], $0x1000  }
0x11a: {  	[sflag:s13] =	ssyncset.done $0x0  }
0x11b: {  	[sflag:s13] =	ssyncadd.s32 $0xFFFFF000  }
0x11c: {  	[hbm:s5], [sflag:s31] =	dma.local [spmem:s10], $0x1000  }
0x11d: {  	_ =	swait.ge [sflag:s6], $0x1000  }
0x11e: {  	[sflag:s6] =	ssyncset.done $0x0  }
0x11f: {  	[sflag:s6] =	ssyncadd.s32 $0xFFFFF000  }
0x120: {  	[hbm:s4], [sflag:s28] =	dma.local [spmem:s14], $0x1000  }
0x121: {  	_ =	swait.ge [sflag:s7], $0x1000  }
0x122: {  	[sflag:s7] =	ssyncset.done $0x0  }
0x123: {  	p1 =	sne.s32 s0, $0x1;
	[sflag:s7] =	ssyncadd.s32 $0xFFFFF000  }
.Ltmp2:
0x124: {  	_ =	swait.ge [sflag:s9], $0x1000;
	(pc) =	sbr.rel @p1 .LBB2_3-.Ltmp2, $4  }
0x125: {  	[sflag:s9] =	ssyncset.done $0x0  }
0x126: {  	[sflag:s9] =	ssyncadd.s32 $0xFFFFF000  }
0x127: {  	_ =	swait.ge [sflag:s3], $0x1000  }
0x128: {  	s0 =	sadd.s32 $0xFFFFFFFF, s0;
	s1 =	rddreg [dreg:$0x4];
	[sflag:s3] =	ssyncset.done $0x0  }
0x129: {  	s30 =	rddreg [dreg:$0x3];
	s31 =	stileid.u32  }
.LBB2_5:
0x12a: {  	[sflag:s3] =	ssyncadd.s32 @p0 $0xFFFFF000  }
0x12b: {  	[spmem:s14], [sflag:s2] =	dma.local [hbm:s1], $0x1000  }
0x12c: {  	s26 =	sor.u32 $0x1C02, s25;
	s0 =	rddreg [dreg:$0x5]  }
0x12d: {  	[spmem:s16], [sflag:s26] =	dma.local [hbm:s0], $0x1000  }
0x12e: {  	_ =	swait.ge [sflag:s6], $0x1000  }
0x12f: {  	[sflag:s6] =	ssyncset.done $0x0  }
0x130: {  	s0 =	sor.u32 $0x1C04, s25;
	s29 =	rddreg [dreg:$0x6];
	[sflag:s6] =	ssyncadd.s32 $0xFFFFF000  }
0x131: {  	[hbm:s29], [sflag:s0] =	dma.local [spmem:s14], $0x1000  }
0x132: {  	s28 =	sor.u32 $0x1C03, s25;
	s1 =	rddreg [dreg:$0x7]  }
0x133: {  	[spmem:s10], [sflag:s28] =	dma.local [hbm:s1], $0x1000  }
0x134: {  	_ =	swait.ge [sflag:s18], $0x1000  }
0x135: {  	[sflag:s18] =	ssyncset.done $0x0  }
0x136: {  	s29 =	sor.u32 $0x1C05, s25;
	s1 =	rddreg [dreg:$0x8];
	[sflag:s18] =	ssyncadd.s32 $0xFFFFF000  }
0x137: {  	[hbm:s1], [sflag:s29] =	dma.local [spmem:s16], $0x1000  }
0x138: {  	_ =	swait.ge [sflag:s3], $0x1000  }
0x139: {  	[sflag:s3] =	ssyncset.done $0x0  }
0x13a: {  	s1 =	rddreg [dreg:$0x9];
	[sflag:s3] =	ssyncadd.s32 $0xFFFFF000  }
0x13b: {  	[spmem:s14], [sflag:s2] =	dma.local [hbm:s1], $0x1000  }
0x13c: {  	_ =	swait.ge [sflag:s13], $0x1000  }
0x13d: {  	[sflag:s13] =	ssyncset.done $0x0  }
0x13e: {  	s25 =	sor.u32 $0x1C06, s25;
	s1 =	rddreg [dreg:$0xa];
	[sflag:s13] =	ssyncadd.s32 $0xFFFFF000  }
0x13f: {  	[hbm:s1], [sflag:s25] =	dma.local [spmem:s10], $0x1000  }
0x140: {  	_ =	swait.ge [sflag:s7], $0x1000  }
0x141: {  	[sflag:s7] =	ssyncset.done $0x0  }
0x142: {  	s1 =	rddreg [dreg:$0xb];
	[sflag:s7] =	ssyncadd.s32 $0xFFFFF000  }
0x143: {  	[spmem:s16], [sflag:s26] =	dma.local [hbm:s1], $0x1000  }
0x144: {  	_ =	swait.ge [sflag:s6], $0x1000  }
0x145: {  	[sflag:s6] =	ssyncset.done $0x0  }
0x146: {  	s1 =	rddreg [dreg:$0xc];
	[sflag:s6] =	ssyncadd.s32 $0xFFFFF000  }
0x147: {  	[hbm:s1], [sflag:s0] =	dma.local [spmem:s14], $0x1000  }
0x148: {  	_ =	swait.ge [sflag:s9], $0x1000  }
0x149: {  	[sflag:s9] =	ssyncset.done $0x0  }
0x14a: {  	s1 =	rddreg [dreg:$0xd];
	[sflag:s9] =	ssyncadd.s32 $0xFFFFF000  }
0x14b: {  	[spmem:s10], [sflag:s28] =	dma.local [hbm:s1], $0x1000  }
0x14c: {  	_ =	swait.ge [sflag:s18], $0x1000  }
0x14d: {  	[sflag:s18] =	ssyncset.done $0x0  }
0x14e: {  	s1 =	rddreg [dreg:$0xe];
	[sflag:s18] =	ssyncadd.s32 $0xFFFFF000  }
0x14f: {  	[hbm:s1], [sflag:s29] =	dma.local [spmem:s16], $0x1000  }
0x150: {  	_ =	swait.ge [sflag:s3], $0x1000  }
0x151: {  	[sflag:s3] =	ssyncset.done $0x0  }
0x152: {  	s1 =	rddreg [dreg:$0xf];
	[sflag:s3] =	ssyncadd.s32 $0xFFFFF000  }
0x153: {  	[spmem:s14], [sflag:s2] =	dma.local [hbm:s1], $0x1000  }
0x154: {  	_ =	swait.ge [sflag:s13], $0x1000  }
0x155: {  	[sflag:s13] =	ssyncset.done $0x0  }
0x156: {  	s1 =	rddreg [dreg:$0x10];
	[sflag:s13] =	ssyncadd.s32 $0xFFFFF000  }
0x157: {  	[hbm:s1], [sflag:s25] =	dma.local [spmem:s10], $0x1000  }
0x158: {  	_ =	swait.ge [sflag:s7], $0x1000  }
0x159: {  	[sflag:s7] =	ssyncset.done $0x0  }
0x15a: {  	s1 =	rddreg [dreg:$0x11];
	[sflag:s7] =	ssyncadd.s32 $0xFFFFF000  }
0x15b: {  	[spmem:s16], [sflag:s26] =	dma.local [hbm:s1], $0x1000  }
0x15c: {  	_ =	swait.ge [sflag:s6], $0x1000  }
0x15d: {  	[sflag:s6] =	ssyncset.done $0x0  }
0x15e: {  	s1 =	rddreg [dreg:$0x12];
	[sflag:s6] =	ssyncadd.s32 $0xFFFFF000  }
0x15f: {  	[hbm:s1], [sflag:s0] =	dma.local [spmem:s14], $0x1000  }
0x160: {  	_ =	swait.ge [sflag:s9], $0x1000  }
0x161: {  	[sflag:s9] =	ssyncset.done $0x0  }
0x162: {  	s1 =	rddreg [dreg:$0x13];
	[sflag:s9] =	ssyncadd.s32 $0xFFFFF000  }
0x163: {  	[spmem:s10], [sflag:s28] =	dma.local [hbm:s1], $0x1000  }
0x164: {  	_ =	swait.ge [sflag:s18], $0x1000  }
0x165: {  	[sflag:s18] =	ssyncset.done $0x0  }
0x166: {  	s1 =	rddreg [dreg:$0x14];
	[sflag:s18] =	ssyncadd.s32 $0xFFFFF000  }
0x167: {  	[hbm:s1], [sflag:s29] =	dma.local [spmem:s16], $0x1000  }
0x168: {  	_ =	swait.ge [sflag:s3], $0x1000  }
0x169: {  	[sflag:s3] =	ssyncset.done $0x0  }
0x16a: {  	s1 =	rddreg [dreg:$0x15];
	[sflag:s3] =	ssyncadd.s32 $0xFFFFF000  }
0x16b: {  	[spmem:s14], [sflag:s2] =	dma.local [hbm:s1], $0x1000  }
0x16c: {  	_ =	swait.ge [sflag:s13], $0x1000  }
0x16d: {  	[sflag:s13] =	ssyncset.done $0x0  }
0x16e: {  	s1 =	rddreg [dreg:$0x16];
	[sflag:s13] =	ssyncadd.s32 $0xFFFFF000  }
0x16f: {  	[hbm:s1], [sflag:s25] =	dma.local [spmem:s10], $0x1000  }
0x170: {  	_ =	swait.ge [sflag:s7], $0x1000  }
0x171: {  	[sflag:s7] =	ssyncset.done $0x0  }
0x172: {  	[sflag:s7] =	ssyncadd.s32 $0xFFFFF000  }
0x173: {  	[spmem:s16], [sflag:s26] =	dma.local [hbm:s24], $0x1000  }
0x174: {  	_ =	swait.ge [sflag:s6], $0x1000  }
0x175: {  	[sflag:s6] =	ssyncset.done $0x0  }
0x176: {  	[sflag:s6] =	ssyncadd.s32 $0xFFFFF000  }
0x177: {  	[hbm:s23], [sflag:s0] =	dma.local [spmem:s14], $0x1000  }
0x178: {  	_ =	swait.ge [sflag:s9], $0x1000  }
0x179: {  	[sflag:s9] =	ssyncset.done $0x0  }
0x17a: {  	[sflag:s9] =	ssyncadd.s32 $0xFFFFF000  }
0x17b: {  	[spmem:s10], [sflag:s28] =	dma.local [hbm:s22], $0x1000  }
0x17c: {  	_ =	swait.ge [sflag:s18], $0x1000  }
0x17d: {  	[sflag:s18] =	ssyncset.done $0x0  }
0x17e: {  	[sflag:s18] =	ssyncadd.s32 $0xFFFFF000  }
0x17f: {  	[hbm:s21], [sflag:s29] =	dma.local [spmem:s16], $0x1000  }
0x180: {  	_ =	swait.ge [sflag:s3], $0x1000  }
0x181: {  	[sflag:s3] =	ssyncset.done $0x0  }
0x182: {  	[sflag:s3] =	ssyncadd.s32 $0xFFFFF000  }
0x183: {  	[spmem:s14], [sflag:s2] =	dma.local [hbm:s20], $0x1000  }
0x184: {  	_ =	swait.ge [sflag:s13], $0x1000  }
0x185: {  	[sflag:s13] =	ssyncset.done $0x0  }
0x186: {  	[sflag:s13] =	ssyncadd.s32 $0xFFFFF000  }
0x187: {  	[hbm:s19], [sflag:s25] =	dma.local [spmem:s10], $0x1000  }
0x188: {  	_ =	swait.ge [sflag:s7], $0x1000  }
0x189: {  	[sflag:s7] =	ssyncset.done $0x0  }
0x18a: {  	[sflag:s7] =	ssyncadd.s32 $0xFFFFF000  }
0x18b: {  	[spmem:s16], [sflag:s26] =	dma.local [hbm:s17], $0x1000  }
0x18c: {  	_ =	swait.ge [sflag:s6], $0x1000  }
0x18d: {  	[sflag:s6] =	ssyncset.done $0x0  }
0x18e: {  	[sflag:s6] =	ssyncadd.s32 $0xFFFFF000  }
0x18f: {  	[hbm:s15], [sflag:s0] =	dma.local [spmem:s14], $0x1000  }
0x190: {  	_ =	swait.ge [sflag:s9], $0x1000  }
0x191: {  	[sflag:s9] =	ssyncset.done $0x0  }
0x192: {  	[sflag:s9] =	ssyncadd.s32 $0xFFFFF000  }
0x193: {  	[spmem:s10], [sflag:s28] =	dma.local [hbm:s12], $0x1000  }
0x194: {  	_ =	swait.ge [sflag:s18], $0x1000  }
0x195: {  	[sflag:s18] =	ssyncset.done $0x0  }
0x196: {  	[sflag:s18] =	ssyncadd.s32 $0xFFFFF000  }
0x197: {  	[hbm:s11], [sflag:s29] =	dma.local [spmem:s16], $0x1000  }
0x198: {  	_ =	swait.ge [sflag:s3], $0x1000  }
0x199: {  	[sflag:s3] =	ssyncset.done $0x0  }
0x19a: {  	[sflag:s3] =	ssyncadd.s32 $0xFFFFF000  }
0x19b: {  	[spmem:s14], [sflag:s2] =	dma.local [hbm:s8], $0x1000  }
0x19c: {  	_ =	swait.ge [sflag:s13], $0x1000  }
0x19d: {  	[sflag:s13] =	ssyncset.done $0x0  }
0x19e: {  	[sflag:s13] =	ssyncadd.s32 $0xFFFFF000  }
0x19f: {  	[hbm:s5], [sflag:s25] =	dma.local [spmem:s10], $0x1000  }
0x1a0: {  	_ =	swait.ge [sflag:s6], $0x1000  }
0x1a1: {  	[sflag:s6] =	ssyncset.done $0x0  }
0x1a2: {  	[sflag:s6] =	ssyncadd.s32 $0xFFFFF000  }
0x1a3: {  	[hbm:s4], [sflag:s0] =	dma.local [spmem:s14], $0x1000  }
0x1a4: {  	_ =	swait.ge [sflag:s7], $0x1000  }
0x1a5: {  	[sflag:s7] =	ssyncset.done $0x0  }
0x1a6: {  	[sflag:s7] =	ssyncadd.s32 $0xFFFFF000  }
0x1a7: {  	_ =	swait.ge [sflag:s9], $0x1000  }
0x1a8: {  	[sflag:s9] =	ssyncset.done $0x0  }
0x1a9: {  	[sflag:s9] =	ssyncadd.s32 $0xFFFFF000  }
0x1aa: {  	_ =	swait.ge [sflag:s3], $0x1000  }
0x1ab: {  	[sflag:s3] =	ssyncset.done $0x0  }
0x1ac: {  	[sflag:s3] =	ssyncadd.s32 $0xFFFFF000  }
0x1ad: {  	_ =	sfence.sel $0x180000  }
0x1ae: {  	[bflag:$0x0] =	sbarrier.arrive $0xFFFF  }
0x1af: {  	p0 =	sne.s32 s31, $0x0;
	_ =	strace $0x90000047  }
0x1b0: {  	s0 =	sadd.s32 @!p0 $0x100000, s30;
	[bflag:$0x2] =	sbarrier.arrive $0xFFFF  }
0x1b1: {  	[sflag:s0] =	ssyncadd.tile.s32 @!p0 $0x1;
	_ =	shalt  }
.LBB2_2:
.Ltmp3:
0x1b2: {  	(pc) =	sbr.rel .LBB2_5-.Ltmp3, $2  }
0x1b3: {  	_ =	sdelay $0x2  }
0x1b4: {  	s30 =	rddreg [dreg:$0x3];
	s31 =	stileid.u32  }
.Lfunc_end2:
_tile_overlayer_lowered:
.L_overlay_start_2:
0x1b5: {  	(tag) =	ssettag $0x2  }
0x1b6: {  	s0 =	rddreg [dreg:$0x0];
	s2 =	stileid.u32  }
0x1b7: {  	s1 =	rddreg [dreg:$0x1];
	p0 =	sne.s32 s2, $0x0  }
0x1b8: {  	s3 =	rddreg [dreg:$0x2];
	[bflag:$0x3] =	sbarrier.arrive $0xFFFF;
	s2 =	simm.s32 @!p0 $0x1C07  }
0x1b9: {  	[timem:s3], [sflag:s2] =	dma.local @!p0 [hbm:s0], s1  }
0x1ba: {  	s0 =	simm.s32 @!p0 $0x7  }
0x1bb: {  	_ =	swait.ge @!p0 [sflag:s0], s1  }
0x1bc: {  	s1 =	ssub.s32 @!p0 $0x0, s1;
	[sflag:s0] =	ssyncset.done @!p0 $0x0  }
0x1bd: {  	[sflag:s0] =	ssyncadd.s32 @!p0 s1  }
0x1be: {  	[bflag:$0x3] =	sbarrier.arrive $0xFFFF  }
0x1bf: {  	_ =	shalt  }

</sc_bundles>
